<compile_context>
chip_gen: v7x
topology: tpu7x:2x2x1
jax: 0.10.2.dev20260603
libtpu: 0.0.44.dev20260713+nightly
codegen_flags: <defaults>
</compile_context>

<pallas_src>
import jax
import jax.numpy as jnp
from jax import lax
from jax.experimental import pallas as pl
from jax.experimental.pallas import tpu as pltpu
from jax.experimental.pallas import tpu_sc as plsc

N = 10000
E = 320000
D = 128

NC = 2
NS = 16
K = 128
CH = 79
E_PAD = NC * NS * CH * K
N_PAD = 10240
STRIPE = N_PAD // NS
RB = 2048

_MESH = plsc.VectorSubcoreMesh(core_axis_name="c", subcore_axis_name="s")
_HIGH = lax.Precision.HIGHEST
_DN = (((1,), (0,)), ((), ()))


def _fill(ref, rows, width, value):
    vec = jnp.full((16,), value, jnp.float32)

    @pl.loop(0, rows)
    def _(r):
        for c in range(width // 16):
            ref.at[r, pl.ds(c * 16, 16)][...] = vec


def _deg_body(dst_hbm, out_hbm, dst_v, buf_v, acc):
    ci = lax.axis_index("c")
    si = lax.axis_index("s")
    pltpu.sync_copy(dst_hbm.at[ci, si], dst_v)
    _fill(buf_v, K, D, 0.0)

    @pl.loop(0, STRIPE // K)
    def _(t):
        pltpu.sync_copy(buf_v, acc.at[pl.ds(si * STRIPE + t * K, K)])

    _fill(buf_v, K, D, 1.0)
    plsc.subcore_barrier()

    @pl.loop(0, CH)
    def _(j):
        pltpu.sync_copy(buf_v, acc.at[dst_v.at[j]], add=True)

    plsc.subcore_barrier()
    pltpu.sync_copy(acc.at[pl.ds(si * STRIPE, STRIPE)],
                    out_hbm.at[ci, pl.ds(si * STRIPE, STRIPE)])


_sc_deg = pl.kernel(
    _deg_body,
    out_type=jax.ShapeDtypeStruct((NC, N_PAD, D), jnp.float32),
    mesh=_MESH,
    scratch_types=[
        pltpu.VMEM((CH, K), jnp.int32),
        pltpu.VMEM((K, D), jnp.float32),
        pltpu.VMEM_SHARED((N_PAD, D), jnp.float32),
    ],
)


def _scatter_body(g_hbm, src_hbm, dst_hbm, out_hbm, src_v, dst_v, rows_v, acc,
                  sem):
    ci = lax.axis_index("c")
    si = lax.axis_index("s")
    pltpu.sync_copy(src_hbm.at[ci, si], src_v)
    pltpu.sync_copy(dst_hbm.at[ci, si], dst_v)
    _fill(rows_v, K, D, 0.0)

    @pl.loop(0, STRIPE // K)
    def _(t):
        pltpu.sync_copy(rows_v, acc.at[pl.ds(si * STRIPE + t * K, K)])

    plsc.subcore_barrier()

    @pl.loop(0, CH)
    def _(j):
        pltpu.async_copy(g_hbm.at[src_v.at[j]], rows_v, sem).wait()
        pltpu.sync_copy(rows_v, acc.at[dst_v.at[j]], add=True)

    plsc.subcore_barrier()
    pltpu.sync_copy(acc.at[pl.ds(si * STRIPE, STRIPE)],
                    out_hbm.at[ci, pl.ds(si * STRIPE, STRIPE)])


_sc_scatter = pl.kernel(
    _scatter_body,
    out_type=jax.ShapeDtypeStruct((NC, N_PAD, D), jnp.float32),
    mesh=_MESH,
    scratch_types=[
        pltpu.VMEM((CH, K), jnp.int32),
        pltpu.VMEM((CH, K), jnp.int32),
        pltpu.VMEM((K, D), jnp.float32),
        pltpu.VMEM_SHARED((N_PAD, D), jnp.float32),
        pltpu.SemaphoreType.DMA,
    ],
)


_BSF = pl.BlockSpec((RB, D), lambda i: (i, 0))
_BS1 = pl.BlockSpec((RB, 1), lambda i: (i, 0))
_BSB = pl.BlockSpec((1, D), lambda i: (0, 0))
_BSW = pl.BlockSpec((D, D), lambda i: (0, 0))


def _mm_body(x_ref, w_ref, o_ref):
    o_ref[...] = lax.dot_general(x_ref[...], w_ref[...], _DN, precision=_HIGH,
                                 preferred_element_type=jnp.float32)


def _tc_matmul(x_pad, W):
    return pl.pallas_call(
        _mm_body,
        grid=(N_PAD // RB,),
        in_specs=[_BSF, _BSW],
        out_specs=_BSF,
        out_shape=jax.ShapeDtypeStruct((N_PAD, D), jnp.float32),
    )(x_pad, W)


def _scale_body(da_ref, db_ref, m_ref, dinv_ref, g_ref):
    deg = da_ref[...][:, 0:1] + db_ref[...][:, 0:1] + 1.0
    dinv = lax.rsqrt(deg)
    dinv_ref[...] = dinv
    g_ref[...] = m_ref[...] * dinv


def _tc_scale(deg_a, deg_b, m1):
    return pl.pallas_call(
        _scale_body,
        grid=(N_PAD // RB,),
        in_specs=[_BSF, _BSF, _BSF],
        out_specs=[_BS1, _BSF],
        out_shape=[jax.ShapeDtypeStruct((N_PAD, 1), jnp.float32),
                   jax.ShapeDtypeStruct((N_PAD, D), jnp.float32)],
    )(deg_a, deg_b, m1)


def _mid_body(pa_ref, pb_ref, g_ref, dinv_ref, b_ref, w_ref, o_ref):
    s = pa_ref[...] + pb_ref[...] + g_ref[...]
    h = jnp.maximum(s * dinv_ref[...] + b_ref[...], 0.0)
    o_ref[...] = lax.dot_general(h, w_ref[...], _DN, precision=_HIGH,
                                 preferred_element_type=jnp.float32
                                 ) * dinv_ref[...]


def _tc_mid(pa, pb, g1, dinv, b1, W2):
    return pl.pallas_call(
        _mid_body,
        grid=(N_PAD // RB,),
        in_specs=[_BSF, _BSF, _BSF, _BS1, _BSB, _BSW],
        out_specs=_BSF,
        out_shape=jax.ShapeDtypeStruct((N_PAD, D), jnp.float32),
    )(pa, pb, g1, dinv, b1, W2)


def _final_body(pa_ref, pb_ref, g_ref, dinv_ref, b_ref, o_ref):
    s = pa_ref[...] + pb_ref[...] + g_ref[...]
    o_ref[...] = jnp.maximum(s * dinv_ref[...] + b_ref[...], 0.0)


def _tc_final(pa, pb, g2, dinv, b2):
    return pl.pallas_call(
        _final_body,
        grid=(N_PAD // RB,),
        in_specs=[_BSF, _BSF, _BSF, _BS1, _BSB],
        out_specs=pl.BlockSpec((RB, D), lambda i: (i, 0)),
        out_shape=jax.ShapeDtypeStruct((N, D), jnp.float32),
    )(pa, pb, g2, dinv, b2)


@jax.jit
def kernel(x, edge_index, W1, b1, W2, b2):
    x_pad = jnp.pad(x, ((0, N_PAD - N), (0, 0)))
    pad = jnp.full((E_PAD - E,), N, jnp.int32)
    src4 = jnp.concatenate([edge_index[0], pad]).reshape(NC, NS, CH, K)
    dst4 = jnp.concatenate([edge_index[1], pad]).reshape(NC, NS, CH, K)
    b1r = b1.reshape(1, D)
    b2r = b2.reshape(1, D)

    degp = _sc_deg(dst4)
    m1 = _tc_matmul(x_pad, W1)
    dinv, g1 = _tc_scale(degp[0], degp[1], m1)
    p1 = _sc_scatter(g1, src4, dst4)
    g2 = _tc_mid(p1[0], p1[1], g1, dinv, b1r, W2)
    p2 = _sc_scatter(g2, src4, dst4)
    return _tc_final(p2[0], p2[1], g2, dinv, b2r)

# --- scband reference (transcript-rebuilt; emitter-appended) ---
"""Pipeline reference for scband-two-gcn-19662360281499 (READ-ONLY COPY).

The authoritative reference and input builder live on the scoring server;
editing this copy changes nothing except your own understanding.
"""

import jax, jax.numpy as jnp
import numpy as np

N = 10000
E = 320000
D_IN = 128
D_H = 128
D_OUT = 128


def _xavier_uniform(key, fan_in, fan_out):
    limit = float(np.sqrt(6.0 / (fan_in + fan_out)))
    return jax.random.uniform(key, (fan_in, fan_out), dtype=jnp.float32, minval=-limit, maxval=limit)


def setup_inputs(seed: int = 0) -> dict:
    key = jax.random.key(seed)
    k1, k2, k3, k4 = jax.random.split(key, 4)
    x = jax.random.normal(k1, (N, D_IN), dtype=jnp.float32)
    edge_index = jax.random.randint(k2, (2, E), 0, N, dtype=jnp.int32)
    W1 = _xavier_uniform(k3, D_IN, D_H)
    b1 = jnp.zeros((D_H,), dtype=jnp.float32)
    W2 = _xavier_uniform(k4, D_H, D_OUT)
    b2 = jnp.zeros((D_OUT,), dtype=jnp.float32)
    return {"x": x, "edge_index": edge_index, "W1": W1, "b1": b1, "W2": W2, "b2": b2}


def _gcn_conv(x, src, dst, W, b):
    n = x.shape[0]
    # symmetric normalization: D^-1/2 (A + I) D^-1/2 (self-loops already appended)
    deg = jnp.zeros((n,), dtype=jnp.float32).at[dst].add(1.0)
    dinv = jnp.where(deg > 0, jax.lax.rsqrt(deg), 0.0)
    norm = dinv[src] * dinv[dst]
    h = x @ W
    msg = h[src] * norm[:, None]
    out = jnp.zeros((n, h.shape[1]), dtype=h.dtype).at[dst].add(msg)
    return out + b


def reference(x, edge_index, W1, b1, W2, b2):
    loop = jnp.arange(N, dtype=edge_index.dtype)
    src = jnp.concatenate([edge_index[0], loop])
    dst = jnp.concatenate([edge_index[1], loop])
    h = _gcn_conv(x, src, dst, W1, b1)
    h = jax.nn.relu(h)
    h = _gcn_conv(h, src, dst, W2, b2)
    h = jax.nn.relu(h)
    return h

if __name__ == "__main__":
    import jax
    _d = setup_inputs()
    print(jax.jit(kernel)(*tuple(_d.values())))

</pallas_src>

<mosaic_0001>
#map = affine_map<(d0, d1) -> (0, 0, 0, 0)>
#map1 = affine_map<(d0, d1) -> (0, 0, 0)>
module attributes {stable_mosaic.version = 14 : i64} {
  func.func @_deg_body(%arg0: i32, %arg1: i32, %arg2: memref<2x16x79x128xi32, #tpu.memory_space<hbm>>, %arg3: memref<2x10240x128xf32, #tpu.memory_space<hbm>>, %arg4: memref<79x128xi32, #tpu.memory_space<vmem>>, %arg5: memref<128x128xf32, #tpu.memory_space<vmem>>, %arg6: memref<10240x128xf32, #tpu.memory_space<vmem_shared>>) attributes {dimension_semantics = [#tpu.dimension_semantics<core_parallel>, #tpu.dimension_semantics<subcore_parallel>], iteration_bounds = array<i64: 2, 16>, scalar_prefetch = 0 : i64, scratch_operands = 3 : i64, tpu.core_type = #tpu.core_type<sc_vector_subcore>, window_params = [{transform_indices = #map}, {transform_indices = #map1}]} {
    "tpu.region"() ({
      %run_scoped3A = tpu.sem_alloc : memref<!tpu.dma_semaphore, #tpu.memory_space<semaphore_mem>>
      %dma_start3A = arith.constant 0 : i32
      %dma_start3A_26 = arith.constant 0 : i32
      %dma_start3A_27 = tpu.memref_slice %arg2[%arg0, %arg1, %dma_start3A, %dma_start3A_26] : memref<2x16x79x128xi32, #tpu.memory_space<hbm>> -> memref<1x1x79x128xi32, #tpu.memory_space<hbm>>
      %dma_start3A_28 = tpu.memref_squeeze %dma_start3A_27 : memref<1x1x79x128xi32, #tpu.memory_space<hbm>> -> memref<79x128xi32, #tpu.memory_space<hbm>>
      %dma_start3A_29 = arith.constant 0 : i32
      %dma_start3A_30 = arith.constant 0 : i32
      %dma_start3A_31 = tpu.memref_slice %arg2[%arg0, %arg1, %dma_start3A_29, %dma_start3A_30] : memref<2x16x79x128xi32, #tpu.memory_space<hbm>> -> memref<1x1x79x128xi32, #tpu.memory_space<hbm>>
      %dma_start3A_32 = tpu.memref_squeeze %dma_start3A_31 : memref<1x1x79x128xi32, #tpu.memory_space<hbm>> -> memref<79x128xi32, #tpu.memory_space<hbm>>
      tpu.enqueue_dma source(%dma_start3A_32 : memref<79x128xi32, #tpu.memory_space<hbm>>) target(%arg4 : memref<79x128xi32, #tpu.memory_space<vmem>>) target_semaphore(%run_scoped3A : memref<!tpu.dma_semaphore, #tpu.memory_space<semaphore_mem>>)
      %dma_wait3A = arith.constant 0 : i32
      %dma_wait3A_33 = arith.constant 0 : i32
      %dma_wait3A_34 = tpu.memref_slice %arg2[%arg0, %arg1, %dma_wait3A, %dma_wait3A_33] : memref<2x16x79x128xi32, #tpu.memory_space<hbm>> -> memref<1x1x79x128xi32, #tpu.memory_space<hbm>>
      %dma_wait3A_35 = tpu.memref_squeeze %dma_wait3A_34 : memref<1x1x79x128xi32, #tpu.memory_space<hbm>> -> memref<79x128xi32, #tpu.memory_space<hbm>>
      %dma_wait3A_36 = arith.constant 0 : i32
      %dma_wait3A_37 = arith.constant 0 : i32
      %dma_wait3A_38 = tpu.memref_slice %arg2[%arg0, %arg1, %dma_wait3A_36, %dma_wait3A_37] : memref<2x16x79x128xi32, #tpu.memory_space<hbm>> -> memref<1x1x79x128xi32, #tpu.memory_space<hbm>>
      %dma_wait3A_39 = tpu.memref_squeeze %dma_wait3A_38 : memref<1x1x79x128xi32, #tpu.memory_space<hbm>> -> memref<79x128xi32, #tpu.memory_space<hbm>>
      tpu.wait_dma2 semaphore(%run_scoped3A : memref<!tpu.dma_semaphore, #tpu.memory_space<semaphore_mem>>) src(%dma_wait3A_39 : memref<79x128xi32, #tpu.memory_space<hbm>>) dst(%arg4 : memref<79x128xi32, #tpu.memory_space<vmem>>)
      tpu.yield
    }) : () -> ()
    %broadcast_in_dim3A = arith.constant 0.000000e+00 : f32
    %broadcast_in_dim3A_0 = vector.broadcast %broadcast_in_dim3A : f32 to vector<16xf32>
    %scan3A = arith.constant 0 : i32
    %scan3A_1 = arith.constant 128 : i32
    %scan3A_2 = arith.addi %scan3A, %scan3A_1 : i32
    %scan3A_3 = arith.constant 1 : i32
    scf.for %scan3A_26 = %scan3A to %scan3A_2 step %scan3A_3  : i32 {
      %mul3A_27 = arith.constant 1 : i32
      %mul3A_28 = arith.muli %scan3A_26, %mul3A_27 : i32
      %add3A = arith.constant 0 : i32
      %add3A_29 = arith.addi %add3A, %mul3A_28 : i32
      %swap3A = arith.index_cast %add3A_29 : i32 to index
      %swap3A_30 = arith.constant 0 : index
      %swap3A_31 = tpu.vector_load %arg5[%swap3A, %swap3A_30] {strides = array<i32>} : memref<128x128xf32, #tpu.memory_space<vmem>>, vector<1x16xf32>,
      %swap3A_32 = vector.shape_cast %swap3A_31 : vector<1x16xf32> to vector<16xf32>
      %swap3A_33 = vector.shape_cast %broadcast_in_dim3A_0 : vector<16xf32> to vector<1x16xf32>
      tpu.vector_store %arg5[%swap3A, %swap3A_30], %swap3A_33 {strides = array<i32>} : memref<128x128xf32, #tpu.memory_space<vmem>>, vector<1x16xf32>,
      %swap3A_34 = arith.index_cast %add3A_29 : i32 to index
      %swap3A_35 = arith.constant 16 : index
      %swap3A_36 = tpu.vector_load %arg5[%swap3A_34, %swap3A_35] {strides = array<i32>} : memref<128x128xf32, #tpu.memory_space<vmem>>, vector<1x16xf32>,
      %swap3A_37 = vector.shape_cast %swap3A_36 : vector<1x16xf32> to vector<16xf32>
      %swap3A_38 = vector.shape_cast %broadcast_in_dim3A_0 : vector<16xf32> to vector<1x16xf32>
      tpu.vector_store %arg5[%swap3A_34, %swap3A_35], %swap3A_38 {strides = array<i32>} : memref<128x128xf32, #tpu.memory_space<vmem>>, vector<1x16xf32>,
      %swap3A_39 = arith.index_cast %add3A_29 : i32 to index
      %swap3A_40 = arith.constant 32 : index
      %swap3A_41 = tpu.vector_load %arg5[%swap3A_39, %swap3A_40] {strides = array<i32>} : memref<128x128xf32, #tpu.memory_space<vmem>>, vector<1x16xf32>,
      %swap3A_42 = vector.shape_cast %swap3A_41 : vector<1x16xf32> to vector<16xf32>
      %swap3A_43 = vector.shape_cast %broadcast_in_dim3A_0 : vector<16xf32> to vector<1x16xf32>
      tpu.vector_store %arg5[%swap3A_39, %swap3A_40], %swap3A_43 {strides = array<i32>} : memref<128x128xf32, #tpu.memory_space<vmem>>, vector<1x16xf32>,
      %swap3A_44 = arith.index_cast %add3A_29 : i32 to index
      %swap3A_45 = arith.constant 48 : index
      %swap3A_46 = tpu.vector_load %arg5[%swap3A_44, %swap3A_45] {strides = array<i32>} : memref<128x128xf32, #tpu.memory_space<vmem>>, vector<1x16xf32>,
      %swap3A_47 = vector.shape_cast %swap3A_46 : vector<1x16xf32> to vector<16xf32>
      %swap3A_48 = vector.shape_cast %broadcast_in_dim3A_0 : vector<16xf32> to vector<1x16xf32>
      tpu.vector_store %arg5[%swap3A_44, %swap3A_45], %swap3A_48 {strides = array<i32>} : memref<128x128xf32, #tpu.memory_space<vmem>>, vector<1x16xf32>,
      %swap3A_49 = arith.index_cast %add3A_29 : i32 to index
      %swap3A_50 = arith.constant 64 : index
      %swap3A_51 = tpu.vector_load %arg5[%swap3A_49, %swap3A_50] {strides = array<i32>} : memref<128x128xf32, #tpu.memory_space<vmem>>, vector<1x16xf32>,
      %swap3A_52 = vector.shape_cast %swap3A_51 : vector<1x16xf32> to vector<16xf32>
      %swap3A_53 = vector.shape_cast %broadcast_in_dim3A_0 : vector<16xf32> to vector<1x16xf32>
      tpu.vector_store %arg5[%swap3A_49, %swap3A_50], %swap3A_53 {strides = array<i32>} : memref<128x128xf32, #tpu.memory_space<vmem>>, vector<1x16xf32>,
      %swap3A_54 = arith.index_cast %add3A_29 : i32 to index
      %swap3A_55 = arith.constant 80 : index
      %swap3A_56 = tpu.vector_load %arg5[%swap3A_54, %swap3A_55] {strides = array<i32>} : memref<128x128xf32, #tpu.memory_space<vmem>>, vector<1x16xf32>,
      %swap3A_57 = vector.shape_cast %swap3A_56 : vector<1x16xf32> to vector<16xf32>
      %swap3A_58 = vector.shape_cast %broadcast_in_dim3A_0 : vector<16xf32> to vector<1x16xf32>
      tpu.vector_store %arg5[%swap3A_54, %swap3A_55], %swap3A_58 {strides = array<i32>} : memref<128x128xf32, #tpu.memory_space<vmem>>, vector<1x16xf32>,
      %swap3A_59 = arith.index_cast %add3A_29 : i32 to index
      %swap3A_60 = arith.constant 96 : index
      %swap3A_61 = tpu.vector_load %arg5[%swap3A_59, %swap3A_60] {strides = array<i32>} : memref<128x128xf32, #tpu.memory_space<vmem>>, vector<1x16xf32>,
      %swap3A_62 = vector.shape_cast %swap3A_61 : vector<1x16xf32> to vector<16xf32>
      %swap3A_63 = vector.shape_cast %broadcast_in_dim3A_0 : vector<16xf32> to vector<1x16xf32>
      tpu.vector_store %arg5[%swap3A_59, %swap3A_60], %swap3A_63 {strides = array<i32>} : memref<128x128xf32, #tpu.memory_space<vmem>>, vector<1x16xf32>,
      %swap3A_64 = arith.index_cast %add3A_29 : i32 to index
      %swap3A_65 = arith.constant 112 : index
      %swap3A_66 = tpu.vector_load %arg5[%swap3A_64, %swap3A_65] {strides = array<i32>} : memref<128x128xf32, #tpu.memory_space<vmem>>, vector<1x16xf32>,
      %swap3A_67 = vector.shape_cast %swap3A_66 : vector<1x16xf32> to vector<16xf32>
      %swap3A_68 = vector.shape_cast %broadcast_in_dim3A_0 : vector<16xf32> to vector<1x16xf32>
      tpu.vector_store %arg5[%swap3A_64, %swap3A_65], %swap3A_68 {strides = array<i32>} : memref<128x128xf32, #tpu.memory_space<vmem>>, vector<1x16xf32>,
    }
    %scan3A_4 = arith.constant 128 : i32
    %scan3A_5 = arith.constant 0 : i32
    %scan3A_6 = arith.constant 5 : i32
    %scan3A_7 = arith.addi %scan3A_5, %scan3A_6 : i32
    %scan3A_8 = arith.constant 1 : i32
    scf.for %scan3A_26 = %scan3A_5 to %scan3A_7 step %scan3A_8  : i32 {
      %mul3A_27 = arith.constant 1 : i32
      %mul3A_28 = arith.muli %scan3A_26, %mul3A_27 : i32
      %add3A = arith.constant 0 : i32
      %add3A_29 = arith.addi %add3A, %mul3A_28 : i32
      %mul3A_30 = arith.constant 640 : i32
      %mul3A_31 = arith.muli %arg1, %mul3A_30 : i32
      %mul3A_32 = arith.constant 128 : i32
      %mul3A_33 = arith.muli %add3A_29, %mul3A_32 : i32
      %add3A_34 = arith.addi %mul3A_31, %mul3A_33 : i32
      "tpu.region"() ({
        %run_scoped3A = tpu.sem_alloc : memref<!tpu.dma_semaphore, #tpu.memory_space<semaphore_mem>>
        %dma_start3A = arith.constant 0 : i32
        %dma_start3A_35 = tpu.memref_slice %arg6[%add3A_34, %dma_start3A] : memref<10240x128xf32, #tpu.memory_space<vmem_shared>> -> memref<128x128xf32, #tpu.memory_space<vmem_shared>>
        %dma_start3A_36 = arith.constant 0 : i32
        %dma_start3A_37 = tpu.memref_slice %arg6[%add3A_34, %dma_start3A_36] : memref<10240x128xf32, #tpu.memory_space<vmem_shared>> -> memref<128x128xf32, #tpu.memory_space<vmem_shared>>
        tpu.enqueue_dma source(%arg5 : memref<128x128xf32, #tpu.memory_space<vmem>>) target(%dma_start3A_37 : memref<128x128xf32, #tpu.memory_space<vmem_shared>>) target_semaphore(%run_scoped3A : memref<!tpu.dma_semaphore, #tpu.memory_space<semaphore_mem>>)
        %dma_wait3A = arith.constant 0 : i32
        %dma_wait3A_38 = tpu.memref_slice %arg6[%add3A_34, %dma_wait3A] : memref<10240x128xf32, #tpu.memory_space<vmem_shared>> -> memref<128x128xf32, #tpu.memory_space<vmem_shared>>
        %dma_wait3A_39 = arith.constant 0 : i32
        %dma_wait3A_40 = tpu.memref_slice %arg6[%add3A_34, %dma_wait3A_39] : memref<10240x128xf32, #tpu.memory_space<vmem_shared>> -> memref<128x128xf32, #tpu.memory_space<vmem_shared>>
        tpu.wait_dma2 semaphore(%run_scoped3A : memref<!tpu.dma_semaphore, #tpu.memory_space<semaphore_mem>>) src(%arg5 : memref<128x128xf32, #tpu.memory_space<vmem>>) dst(%dma_wait3A_40 : memref<128x128xf32, #tpu.memory_space<vmem_shared>>)
        tpu.yield
      }) : () -> ()
    }
    %scan3A_9 = arith.constant 5 : i32
    %broadcast_in_dim3A_10 = arith.constant 1.000000e+00 : f32
    %broadcast_in_dim3A_11 = vector.broadcast %broadcast_in_dim3A_10 : f32 to vector<16xf32>
    %scan3A_12 = arith.constant 0 : i32
    %scan3A_13 = arith.constant 128 : i32
    %scan3A_14 = arith.addi %scan3A_12, %scan3A_13 : i32
    %scan3A_15 = arith.constant 1 : i32
    scf.for %scan3A_26 = %scan3A_12 to %scan3A_14 step %scan3A_15  : i32 {
      %mul3A_27 = arith.constant 1 : i32
      %mul3A_28 = arith.muli %scan3A_26, %mul3A_27 : i32
      %add3A = arith.constant 0 : i32
      %add3A_29 = arith.addi %add3A, %mul3A_28 : i32
      %swap3A = arith.index_cast %add3A_29 : i32 to index
      %swap3A_30 = arith.constant 0 : index
      %swap3A_31 = tpu.vector_load %arg5[%swap3A, %swap3A_30] {strides = array<i32>} : memref<128x128xf32, #tpu.memory_space<vmem>>, vector<1x16xf32>,
      %swap3A_32 = vector.shape_cast %swap3A_31 : vector<1x16xf32> to vector<16xf32>
      %swap3A_33 = vector.shape_cast %broadcast_in_dim3A_11 : vector<16xf32> to vector<1x16xf32>
      tpu.vector_store %arg5[%swap3A, %swap3A_30], %swap3A_33 {strides = array<i32>} : memref<128x128xf32, #tpu.memory_space<vmem>>, vector<1x16xf32>,
      %swap3A_34 = arith.index_cast %add3A_29 : i32 to index
      %swap3A_35 = arith.constant 16 : index
      %swap3A_36 = tpu.vector_load %arg5[%swap3A_34, %swap3A_35] {strides = array<i32>} : memref<128x128xf32, #tpu.memory_space<vmem>>, vector<1x16xf32>,
      %swap3A_37 = vector.shape_cast %swap3A_36 : vector<1x16xf32> to vector<16xf32>
      %swap3A_38 = vector.shape_cast %broadcast_in_dim3A_11 : vector<16xf32> to vector<1x16xf32>
      tpu.vector_store %arg5[%swap3A_34, %swap3A_35], %swap3A_38 {strides = array<i32>} : memref<128x128xf32, #tpu.memory_space<vmem>>, vector<1x16xf32>,
      %swap3A_39 = arith.index_cast %add3A_29 : i32 to index
      %swap3A_40 = arith.constant 32 : index
      %swap3A_41 = tpu.vector_load %arg5[%swap3A_39, %swap3A_40] {strides = array<i32>} : memref<128x128xf32, #tpu.memory_space<vmem>>, vector<1x16xf32>,
      %swap3A_42 = vector.shape_cast %swap3A_41 : vector<1x16xf32> to vector<16xf32>
      %swap3A_43 = vector.shape_cast %broadcast_in_dim3A_11 : vector<16xf32> to vector<1x16xf32>
      tpu.vector_store %arg5[%swap3A_39, %swap3A_40], %swap3A_43 {strides = array<i32>} : memref<128x128xf32, #tpu.memory_space<vmem>>, vector<1x16xf32>,
      %swap3A_44 = arith.index_cast %add3A_29 : i32 to index
      %swap3A_45 = arith.constant 48 : index
      %swap3A_46 = tpu.vector_load %arg5[%swap3A_44, %swap3A_45] {strides = array<i32>} : memref<128x128xf32, #tpu.memory_space<vmem>>, vector<1x16xf32>,
      %swap3A_47 = vector.shape_cast %swap3A_46 : vector<1x16xf32> to vector<16xf32>
      %swap3A_48 = vector.shape_cast %broadcast_in_dim3A_11 : vector<16xf32> to vector<1x16xf32>
      tpu.vector_store %arg5[%swap3A_44, %swap3A_45], %swap3A_48 {strides = array<i32>} : memref<128x128xf32, #tpu.memory_space<vmem>>, vector<1x16xf32>,
      %swap3A_49 = arith.index_cast %add3A_29 : i32 to index
      %swap3A_50 = arith.constant 64 : index
      %swap3A_51 = tpu.vector_load %arg5[%swap3A_49, %swap3A_50] {strides = array<i32>} : memref<128x128xf32, #tpu.memory_space<vmem>>, vector<1x16xf32>,
      %swap3A_52 = vector.shape_cast %swap3A_51 : vector<1x16xf32> to vector<16xf32>
      %swap3A_53 = vector.shape_cast %broadcast_in_dim3A_11 : vector<16xf32> to vector<1x16xf32>
      tpu.vector_store %arg5[%swap3A_49, %swap3A_50], %swap3A_53 {strides = array<i32>} : memref<128x128xf32, #tpu.memory_space<vmem>>, vector<1x16xf32>,
      %swap3A_54 = arith.index_cast %add3A_29 : i32 to index
      %swap3A_55 = arith.constant 80 : index
      %swap3A_56 = tpu.vector_load %arg5[%swap3A_54, %swap3A_55] {strides = array<i32>} : memref<128x128xf32, #tpu.memory_space<vmem>>, vector<1x16xf32>,
      %swap3A_57 = vector.shape_cast %swap3A_56 : vector<1x16xf32> to vector<16xf32>
      %swap3A_58 = vector.shape_cast %broadcast_in_dim3A_11 : vector<16xf32> to vector<1x16xf32>
      tpu.vector_store %arg5[%swap3A_54, %swap3A_55], %swap3A_58 {strides = array<i32>} : memref<128x128xf32, #tpu.memory_space<vmem>>, vector<1x16xf32>,
      %swap3A_59 = arith.index_cast %add3A_29 : i32 to index
      %swap3A_60 = arith.constant 96 : index
      %swap3A_61 = tpu.vector_load %arg5[%swap3A_59, %swap3A_60] {strides = array<i32>} : memref<128x128xf32, #tpu.memory_space<vmem>>, vector<1x16xf32>,
      %swap3A_62 = vector.shape_cast %swap3A_61 : vector<1x16xf32> to vector<16xf32>
      %swap3A_63 = vector.shape_cast %broadcast_in_dim3A_11 : vector<16xf32> to vector<1x16xf32>
      tpu.vector_store %arg5[%swap3A_59, %swap3A_60], %swap3A_63 {strides = array<i32>} : memref<128x128xf32, #tpu.memory_space<vmem>>, vector<1x16xf32>,
      %swap3A_64 = arith.index_cast %add3A_29 : i32 to index
      %swap3A_65 = arith.constant 112 : index
      %swap3A_66 = tpu.vector_load %arg5[%swap3A_64, %swap3A_65] {strides = array<i32>} : memref<128x128xf32, #tpu.memory_space<vmem>>, vector<1x16xf32>,
      %swap3A_67 = vector.shape_cast %swap3A_66 : vector<1x16xf32> to vector<16xf32>
      %swap3A_68 = vector.shape_cast %broadcast_in_dim3A_11 : vector<16xf32> to vector<1x16xf32>
      tpu.vector_store %arg5[%swap3A_64, %swap3A_65], %swap3A_68 {strides = array<i32>} : memref<128x128xf32, #tpu.memory_space<vmem>>, vector<1x16xf32>,
    }
    %scan3A_16 = arith.constant 128 : i32
    %barrier3A = arith.constant 0 : index
    tpu.barrier barrier_id(%barrier3A)
    %scan3A_17 = arith.constant 0 : i32
    %scan3A_18 = arith.constant 79 : i32
    %scan3A_19 = arith.addi %scan3A_17, %scan3A_18 : i32
    %scan3A_20 = arith.constant 1 : i32
    scf.for %scan3A_26 = %scan3A_17 to %scan3A_19 step %scan3A_20  : i32 {
      %mul3A_27 = arith.constant 1 : i32
      %mul3A_28 = arith.muli %scan3A_26, %mul3A_27 : i32
      %add3A = arith.constant 0 : i32
      %add3A_29 = arith.addi %add3A, %mul3A_28 : i32
      "tpu.region"() ({
        %run_scoped3A = tpu.sem_alloc : memref<!tpu.dma_semaphore, #tpu.memory_space<semaphore_mem>>
        %dma_start3A = arith.constant 0 : i32
        %dma_start3A_30 = tpu.memref_slice %arg4[%add3A_29, %dma_start3A] : memref<79x128xi32, #tpu.memory_space<vmem>> -> memref<1x128xi32, #tpu.memory_space<vmem>>
        %dma_start3A_31 = tpu.memref_squeeze %dma_start3A_30 : memref<1x128xi32, #tpu.memory_space<vmem>> -> memref<128xi32, #tpu.memory_space<vmem>>
        %dma_start3A_32 = arith.constant 0 : i32
        %dma_start3A_33 = arith.constant 0 : i32
        %dma_start3A_34 = tpu.memref_slice %arg6[%dma_start3A_32, %dma_start3A_33] : memref<10240x128xf32, #tpu.memory_space<vmem_shared>> -> memref<10240x128xf32, #tpu.memory_space<vmem_shared>>
        tpu.enqueue_indirect_dma source(%arg5 : memref<128x128xf32, #tpu.memory_space<vmem>>) target(%dma_start3A_34 : memref<10240x128xf32, #tpu.memory_space<vmem_shared>>) offsets(%dma_start3A_31 : memref<128xi32, #tpu.memory_space<vmem>>) semaphore(%run_scoped3A : memref<!tpu.dma_semaphore, #tpu.memory_space<semaphore_mem>>) {add = true}
        %dma_wait3A = arith.constant 0 : i32
        %dma_wait3A_35 = tpu.memref_slice %arg4[%add3A_29, %dma_wait3A] : memref<79x128xi32, #tpu.memory_space<vmem>> -> memref<1x128xi32, #tpu.memory_space<vmem>>
        %dma_wait3A_36 = tpu.memref_squeeze %dma_wait3A_35 : memref<1x128xi32, #tpu.memory_space<vmem>> -> memref<128xi32, #tpu.memory_space<vmem>>
        %dma_wait3A_37 = arith.constant 0 : i32
        %dma_wait3A_38 = arith.constant 0 : i32
        %dma_wait3A_39 = tpu.memref_slice %arg6[%dma_wait3A_37, %dma_wait3A_38] : memref<10240x128xf32, #tpu.memory_space<vmem_shared>> -> memref<10240x128xf32, #tpu.memory_space<vmem_shared>>
        tpu.wait_indirect_dma semaphore(%run_scoped3A : memref<!tpu.dma_semaphore, #tpu.memory_space<semaphore_mem>>) src(%arg5 : memref<128x128xf32, #tpu.memory_space<vmem>>) dst(%dma_wait3A_39 : memref<10240x128xf32, #tpu.memory_space<vmem_shared>>)
        tpu.yield
      }) : () -> ()
    }
    %scan3A_21 = arith.constant 79 : i32
    %barrier3A_22 = arith.constant 0 : index
    tpu.barrier barrier_id(%barrier3A_22)
    %mul3A = arith.constant 640 : i32
    %mul3A_23 = arith.muli %arg1, %mul3A : i32
    %mul3A_24 = arith.constant 640 : i32
    %mul3A_25 = arith.muli %arg1, %mul3A_24 : i32
    "tpu.region"() ({
      %run_scoped3A = tpu.sem_alloc : memref<!tpu.dma_semaphore, #tpu.memory_space<semaphore_mem>>
      %dma_start3A = arith.constant 0 : i32
      %dma_start3A_26 = tpu.memref_slice %arg3[%arg0, %mul3A_25, %dma_start3A] : memref<2x10240x128xf32, #tpu.memory_space<hbm>> -> memref<1x640x128xf32, #tpu.memory_space<hbm>>
      %dma_start3A_27 = tpu.memref_squeeze %dma_start3A_26 : memref<1x640x128xf32, #tpu.memory_space<hbm>> -> memref<640x128xf32, #tpu.memory_space<hbm>>
      %dma_start3A_28 = arith.constant 0 : i32
      %dma_start3A_29 = tpu.memref_slice %arg6[%mul3A_23, %dma_start3A_28] : memref<10240x128xf32, #tpu.memory_space<vmem_shared>> -> memref<640x128xf32, #tpu.memory_space<vmem_shared>>
      tpu.enqueue_dma source(%dma_start3A_29 : memref<640x128xf32, #tpu.memory_space<vmem_shared>>) target(%dma_start3A_27 : memref<640x128xf32, #tpu.memory_space<hbm>>) target_semaphore(%run_scoped3A : memref<!tpu.dma_semaphore, #tpu.memory_space<semaphore_mem>>)
      %dma_wait3A = arith.constant 0 : i32
      %dma_wait3A_30 = tpu.memref_slice %arg3[%arg0, %mul3A_25, %dma_wait3A] : memref<2x10240x128xf32, #tpu.memory_space<hbm>> -> memref<1x640x128xf32, #tpu.memory_space<hbm>>
      %dma_wait3A_31 = tpu.memref_squeeze %dma_wait3A_30 : memref<1x640x128xf32, #tpu.memory_space<hbm>> -> memref<640x128xf32, #tpu.memory_space<hbm>>
      %dma_wait3A_32 = arith.constant 0 : i32
      %dma_wait3A_33 = tpu.memref_slice %arg6[%mul3A_23, %dma_wait3A_32] : memref<10240x128xf32, #tpu.memory_space<vmem_shared>> -> memref<640x128xf32, #tpu.memory_space<vmem_shared>>
      tpu.wait_dma2 semaphore(%run_scoped3A : memref<!tpu.dma_semaphore, #tpu.memory_space<semaphore_mem>>) src(%dma_wait3A_33 : memref<640x128xf32, #tpu.memory_space<vmem_shared>>) dst(%dma_wait3A_31 : memref<640x128xf32, #tpu.memory_space<hbm>>)
      tpu.yield
    }) : () -> ()
    return
  }
}

#map = affine_map<(d0, d1) -> (0, 0)>
#map1 = affine_map<(d0, d1) -> (0, 0, 0, 0)>
#map2 = affine_map<(d0, d1) -> (0, 0, 0)>
module attributes {stable_mosaic.version = 14 : i64} {
  func.func @_scatter_body(%arg0: i32, %arg1: i32, %arg2: memref<10240x128xf32, #tpu.memory_space<hbm>>, %arg3: memref<2x16x79x128xi32, #tpu.memory_space<hbm>>, %arg4: memref<2x16x79x128xi32, #tpu.memory_space<hbm>>, %arg5: memref<2x10240x128xf32, #tpu.memory_space<hbm>>, %arg6: memref<79x128xi32, #tpu.memory_space<vmem>>, %arg7: memref<79x128xi32, #tpu.memory_space<vmem>>, %arg8: memref<128x128xf32, #tpu.memory_space<vmem>>, %arg9: memref<10240x128xf32, #tpu.memory_space<vmem_shared>>, %arg10: memref<!tpu.dma_semaphore, #tpu.memory_space<semaphore_mem>>) attributes {dimension_semantics = [#tpu.dimension_semantics<core_parallel>, #tpu.dimension_semantics<subcore_parallel>], iteration_bounds = array<i64: 2, 16>, scalar_prefetch = 0 : i64, scratch_operands = 5 : i64, tpu.core_type = #tpu.core_type<sc_vector_subcore>, window_params = [{transform_indices = #map}, {transform_indices = #map1}, {transform_indices = #map1}, {transform_indices = #map2}]} {
    "tpu.region"() ({
      %run_scoped3A = tpu.sem_alloc : memref<!tpu.dma_semaphore, #tpu.memory_space<semaphore_mem>>
      %dma_start3A = arith.constant 0 : i32
      %dma_start3A_19 = arith.constant 0 : i32
      %dma_start3A_20 = tpu.memref_slice %arg3[%arg0, %arg1, %dma_start3A, %dma_start3A_19] : memref<2x16x79x128xi32, #tpu.memory_space<hbm>> -> memref<1x1x79x128xi32, #tpu.memory_space<hbm>>
      %dma_start3A_21 = tpu.memref_squeeze %dma_start3A_20 : memref<1x1x79x128xi32, #tpu.memory_space<hbm>> -> memref<79x128xi32, #tpu.memory_space<hbm>>
      %dma_start3A_22 = arith.constant 0 : i32
      %dma_start3A_23 = arith.constant 0 : i32
      %dma_start3A_24 = tpu.memref_slice %arg3[%arg0, %arg1, %dma_start3A_22, %dma_start3A_23] : memref<2x16x79x128xi32, #tpu.memory_space<hbm>> -> memref<1x1x79x128xi32, #tpu.memory_space<hbm>>
      %dma_start3A_25 = tpu.memref_squeeze %dma_start3A_24 : memref<1x1x79x128xi32, #tpu.memory_space<hbm>> -> memref<79x128xi32, #tpu.memory_space<hbm>>
      tpu.enqueue_dma source(%dma_start3A_25 : memref<79x128xi32, #tpu.memory_space<hbm>>) target(%arg6 : memref<79x128xi32, #tpu.memory_space<vmem>>) target_semaphore(%run_scoped3A : memref<!tpu.dma_semaphore, #tpu.memory_space<semaphore_mem>>)
      %dma_wait3A = arith.constant 0 : i32
      %dma_wait3A_26 = arith.constant 0 : i32
      %dma_wait3A_27 = tpu.memref_slice %arg3[%arg0, %arg1, %dma_wait3A, %dma_wait3A_26] : memref<2x16x79x128xi32, #tpu.memory_space<hbm>> -> memref<1x1x79x128xi32, #tpu.memory_space<hbm>>
      %dma_wait3A_28 = tpu.memref_squeeze %dma_wait3A_27 : memref<1x1x79x128xi32, #tpu.memory_space<hbm>> -> memref<79x128xi32, #tpu.memory_space<hbm>>
      %dma_wait3A_29 = arith.constant 0 : i32
      %dma_wait3A_30 = arith.constant 0 : i32
      %dma_wait3A_31 = tpu.memref_slice %arg3[%arg0, %arg1, %dma_wait3A_29, %dma_wait3A_30] : memref<2x16x79x128xi32, #tpu.memory_space<hbm>> -> memref<1x1x79x128xi32, #tpu.memory_space<hbm>>
      %dma_wait3A_32 = tpu.memref_squeeze %dma_wait3A_31 : memref<1x1x79x128xi32, #tpu.memory_space<hbm>> -> memref<79x128xi32, #tpu.memory_space<hbm>>
      tpu.wait_dma2 semaphore(%run_scoped3A : memref<!tpu.dma_semaphore, #tpu.memory_space<semaphore_mem>>) src(%dma_wait3A_32 : memref<79x128xi32, #tpu.memory_space<hbm>>) dst(%arg6 : memref<79x128xi32, #tpu.memory_space<vmem>>)
      tpu.yield
    }) : () -> ()
    "tpu.region"() ({
      %run_scoped3A = tpu.sem_alloc : memref<!tpu.dma_semaphore, #tpu.memory_space<semaphore_mem>>
      %dma_start3A = arith.constant 0 : i32
      %dma_start3A_19 = arith.constant 0 : i32
      %dma_start3A_20 = tpu.memref_slice %arg4[%arg0, %arg1, %dma_start3A, %dma_start3A_19] : memref<2x16x79x128xi32, #tpu.memory_space<hbm>> -> memref<1x1x79x128xi32, #tpu.memory_space<hbm>>
      %dma_start3A_21 = tpu.memref_squeeze %dma_start3A_20 : memref<1x1x79x128xi32, #tpu.memory_space<hbm>> -> memref<79x128xi32, #tpu.memory_space<hbm>>
      %dma_start3A_22 = arith.constant 0 : i32
      %dma_start3A_23 = arith.constant 0 : i32
      %dma_start3A_24 = tpu.memref_slice %arg4[%arg0, %arg1, %dma_start3A_22, %dma_start3A_23] : memref<2x16x79x128xi32, #tpu.memory_space<hbm>> -> memref<1x1x79x128xi32, #tpu.memory_space<hbm>>
      %dma_start3A_25 = tpu.memref_squeeze %dma_start3A_24 : memref<1x1x79x128xi32, #tpu.memory_space<hbm>> -> memref<79x128xi32, #tpu.memory_space<hbm>>
      tpu.enqueue_dma source(%dma_start3A_25 : memref<79x128xi32, #tpu.memory_space<hbm>>) target(%arg7 : memref<79x128xi32, #tpu.memory_space<vmem>>) target_semaphore(%run_scoped3A : memref<!tpu.dma_semaphore, #tpu.memory_space<semaphore_mem>>)
      %dma_wait3A = arith.constant 0 : i32
      %dma_wait3A_26 = arith.constant 0 : i32
      %dma_wait3A_27 = tpu.memref_slice %arg4[%arg0, %arg1, %dma_wait3A, %dma_wait3A_26] : memref<2x16x79x128xi32, #tpu.memory_space<hbm>> -> memref<1x1x79x128xi32, #tpu.memory_space<hbm>>
      %dma_wait3A_28 = tpu.memref_squeeze %dma_wait3A_27 : memref<1x1x79x128xi32, #tpu.memory_space<hbm>> -> memref<79x128xi32, #tpu.memory_space<hbm>>
      %dma_wait3A_29 = arith.constant 0 : i32
      %dma_wait3A_30 = arith.constant 0 : i32
      %dma_wait3A_31 = tpu.memref_slice %arg4[%arg0, %arg1, %dma_wait3A_29, %dma_wait3A_30] : memref<2x16x79x128xi32, #tpu.memory_space<hbm>> -> memref<1x1x79x128xi32, #tpu.memory_space<hbm>>
      %dma_wait3A_32 = tpu.memref_squeeze %dma_wait3A_31 : memref<1x1x79x128xi32, #tpu.memory_space<hbm>> -> memref<79x128xi32, #tpu.memory_space<hbm>>
      tpu.wait_dma2 semaphore(%run_scoped3A : memref<!tpu.dma_semaphore, #tpu.memory_space<semaphore_mem>>) src(%dma_wait3A_32 : memref<79x128xi32, #tpu.memory_space<hbm>>) dst(%arg7 : memref<79x128xi32, #tpu.memory_space<vmem>>)
      tpu.yield
    }) : () -> ()
    %broadcast_in_dim3A = arith.constant 0.000000e+00 : f32
    %broadcast_in_dim3A_0 = vector.broadcast %broadcast_in_dim3A : f32 to vector<16xf32>
    %scan3A = arith.constant 0 : i32
    %scan3A_1 = arith.constant 128 : i32
    %scan3A_2 = arith.addi %scan3A, %scan3A_1 : i32
    %scan3A_3 = arith.constant 1 : i32
    scf.for %scan3A_19 = %scan3A to %scan3A_2 step %scan3A_3  : i32 {
      %mul3A_20 = arith.constant 1 : i32
      %mul3A_21 = arith.muli %scan3A_19, %mul3A_20 : i32
      %add3A = arith.constant 0 : i32
      %add3A_22 = arith.addi %add3A, %mul3A_21 : i32
      %swap3A = arith.index_cast %add3A_22 : i32 to index
      %swap3A_23 = arith.constant 0 : index
      %swap3A_24 = tpu.vector_load %arg8[%swap3A, %swap3A_23] {strides = array<i32>} : memref<128x128xf32, #tpu.memory_space<vmem>>, vector<1x16xf32>,
      %swap3A_25 = vector.shape_cast %swap3A_24 : vector<1x16xf32> to vector<16xf32>
      %swap3A_26 = vector.shape_cast %broadcast_in_dim3A_0 : vector<16xf32> to vector<1x16xf32>
      tpu.vector_store %arg8[%swap3A, %swap3A_23], %swap3A_26 {strides = array<i32>} : memref<128x128xf32, #tpu.memory_space<vmem>>, vector<1x16xf32>,
      %swap3A_27 = arith.index_cast %add3A_22 : i32 to index
      %swap3A_28 = arith.constant 16 : index
      %swap3A_29 = tpu.vector_load %arg8[%swap3A_27, %swap3A_28] {strides = array<i32>} : memref<128x128xf32, #tpu.memory_space<vmem>>, vector<1x16xf32>,
      %swap3A_30 = vector.shape_cast %swap3A_29 : vector<1x16xf32> to vector<16xf32>
      %swap3A_31 = vector.shape_cast %broadcast_in_dim3A_0 : vector<16xf32> to vector<1x16xf32>
      tpu.vector_store %arg8[%swap3A_27, %swap3A_28], %swap3A_31 {strides = array<i32>} : memref<128x128xf32, #tpu.memory_space<vmem>>, vector<1x16xf32>,
      %swap3A_32 = arith.index_cast %add3A_22 : i32 to index
      %swap3A_33 = arith.constant 32 : index
      %swap3A_34 = tpu.vector_load %arg8[%swap3A_32, %swap3A_33] {strides = array<i32>} : memref<128x128xf32, #tpu.memory_space<vmem>>, vector<1x16xf32>,
      %swap3A_35 = vector.shape_cast %swap3A_34 : vector<1x16xf32> to vector<16xf32>
      %swap3A_36 = vector.shape_cast %broadcast_in_dim3A_0 : vector<16xf32> to vector<1x16xf32>
      tpu.vector_store %arg8[%swap3A_32, %swap3A_33], %swap3A_36 {strides = array<i32>} : memref<128x128xf32, #tpu.memory_space<vmem>>, vector<1x16xf32>,
      %swap3A_37 = arith.index_cast %add3A_22 : i32 to index
      %swap3A_38 = arith.constant 48 : index
      %swap3A_39 = tpu.vector_load %arg8[%swap3A_37, %swap3A_38] {strides = array<i32>} : memref<128x128xf32, #tpu.memory_space<vmem>>, vector<1x16xf32>,
      %swap3A_40 = vector.shape_cast %swap3A_39 : vector<1x16xf32> to vector<16xf32>
      %swap3A_41 = vector.shape_cast %broadcast_in_dim3A_0 : vector<16xf32> to vector<1x16xf32>
      tpu.vector_store %arg8[%swap3A_37, %swap3A_38], %swap3A_41 {strides = array<i32>} : memref<128x128xf32, #tpu.memory_space<vmem>>, vector<1x16xf32>,
      %swap3A_42 = arith.index_cast %add3A_22 : i32 to index
      %swap3A_43 = arith.constant 64 : index
      %swap3A_44 = tpu.vector_load %arg8[%swap3A_42, %swap3A_43] {strides = array<i32>} : memref<128x128xf32, #tpu.memory_space<vmem>>, vector<1x16xf32>,
      %swap3A_45 = vector.shape_cast %swap3A_44 : vector<1x16xf32> to vector<16xf32>
      %swap3A_46 = vector.shape_cast %broadcast_in_dim3A_0 : vector<16xf32> to vector<1x16xf32>
      tpu.vector_store %arg8[%swap3A_42, %swap3A_43], %swap3A_46 {strides = array<i32>} : memref<128x128xf32, #tpu.memory_space<vmem>>, vector<1x16xf32>,
      %swap3A_47 = arith.index_cast %add3A_22 : i32 to index
      %swap3A_48 = arith.constant 80 : index
      %swap3A_49 = tpu.vector_load %arg8[%swap3A_47, %swap3A_48] {strides = array<i32>} : memref<128x128xf32, #tpu.memory_space<vmem>>, vector<1x16xf32>,
      %swap3A_50 = vector.shape_cast %swap3A_49 : vector<1x16xf32> to vector<16xf32>
      %swap3A_51 = vector.shape_cast %broadcast_in_dim3A_0 : vector<16xf32> to vector<1x16xf32>
      tpu.vector_store %arg8[%swap3A_47, %swap3A_48], %swap3A_51 {strides = array<i32>} : memref<128x128xf32, #tpu.memory_space<vmem>>, vector<1x16xf32>,
      %swap3A_52 = arith.index_cast %add3A_22 : i32 to index
      %swap3A_53 = arith.constant 96 : index
      %swap3A_54 = tpu.vector_load %arg8[%swap3A_52, %swap3A_53] {strides = array<i32>} : memref<128x128xf32, #tpu.memory_space<vmem>>, vector<1x16xf32>,
      %swap3A_55 = vector.shape_cast %swap3A_54 : vector<1x16xf32> to vector<16xf32>
      %swap3A_56 = vector.shape_cast %broadcast_in_dim3A_0 : vector<16xf32> to vector<1x16xf32>
      tpu.vector_store %arg8[%swap3A_52, %swap3A_53], %swap3A_56 {strides = array<i32>} : memref<128x128xf32, #tpu.memory_space<vmem>>, vector<1x16xf32>,
      %swap3A_57 = arith.index_cast %add3A_22 : i32 to index
      %swap3A_58 = arith.constant 112 : index
      %swap3A_59 = tpu.vector_load %arg8[%swap3A_57, %swap3A_58] {strides = array<i32>} : memref<128x128xf32, #tpu.memory_space<vmem>>, vector<1x16xf32>,
      %swap3A_60 = vector.shape_cast %swap3A_59 : vector<1x16xf32> to vector<16xf32>
      %swap3A_61 = vector.shape_cast %broadcast_in_dim3A_0 : vector<16xf32> to vector<1x16xf32>
      tpu.vector_store %arg8[%swap3A_57, %swap3A_58], %swap3A_61 {strides = array<i32>} : memref<128x128xf32, #tpu.memory_space<vmem>>, vector<1x16xf32>,
    }
    %scan3A_4 = arith.constant 128 : i32
    %scan3A_5 = arith.constant 0 : i32
    %scan3A_6 = arith.constant 5 : i32
    %scan3A_7 = arith.addi %scan3A_5, %scan3A_6 : i32
    %scan3A_8 = arith.constant 1 : i32
    scf.for %scan3A_19 = %scan3A_5 to %scan3A_7 step %scan3A_8  : i32 {
      %mul3A_20 = arith.constant 1 : i32
      %mul3A_21 = arith.muli %scan3A_19, %mul3A_20 : i32
      %add3A = arith.constant 0 : i32
      %add3A_22 = arith.addi %add3A, %mul3A_21 : i32
      %mul3A_23 = arith.constant 640 : i32
      %mul3A_24 = arith.muli %arg1, %mul3A_23 : i32
      %mul3A_25 = arith.constant 128 : i32
      %mul3A_26 = arith.muli %add3A_22, %mul3A_25 : i32
      %add3A_27 = arith.addi %mul3A_24, %mul3A_26 : i32
      "tpu.region"() ({
        %run_scoped3A = tpu.sem_alloc : memref<!tpu.dma_semaphore, #tpu.memory_space<semaphore_mem>>
        %dma_start3A = arith.constant 0 : i32
        %dma_start3A_28 = tpu.memref_slice %arg9[%add3A_27, %dma_start3A] : memref<10240x128xf32, #tpu.memory_space<vmem_shared>> -> memref<128x128xf32, #tpu.memory_space<vmem_shared>>
        %dma_start3A_29 = arith.constant 0 : i32
        %dma_start3A_30 = tpu.memref_slice %arg9[%add3A_27, %dma_start3A_29] : memref<10240x128xf32, #tpu.memory_space<vmem_shared>> -> memref<128x128xf32, #tpu.memory_space<vmem_shared>>
        tpu.enqueue_dma source(%arg8 : memref<128x128xf32, #tpu.memory_space<vmem>>) target(%dma_start3A_30 : memref<128x128xf32, #tpu.memory_space<vmem_shared>>) target_semaphore(%run_scoped3A : memref<!tpu.dma_semaphore, #tpu.memory_space<semaphore_mem>>)
        %dma_wait3A = arith.constant 0 : i32
        %dma_wait3A_31 = tpu.memref_slice %arg9[%add3A_27, %dma_wait3A] : memref<10240x128xf32, #tpu.memory_space<vmem_shared>> -> memref<128x128xf32, #tpu.memory_space<vmem_shared>>
        %dma_wait3A_32 = arith.constant 0 : i32
        %dma_wait3A_33 = tpu.memref_slice %arg9[%add3A_27, %dma_wait3A_32] : memref<10240x128xf32, #tpu.memory_space<vmem_shared>> -> memref<128x128xf32, #tpu.memory_space<vmem_shared>>
        tpu.wait_dma2 semaphore(%run_scoped3A : memref<!tpu.dma_semaphore, #tpu.memory_space<semaphore_mem>>) src(%arg8 : memref<128x128xf32, #tpu.memory_space<vmem>>) dst(%dma_wait3A_33 : memref<128x128xf32, #tpu.memory_space<vmem_shared>>)
        tpu.yield
      }) : () -> ()
    }
    %scan3A_9 = arith.constant 5 : i32
    %barrier3A = arith.constant 0 : index
    tpu.barrier barrier_id(%barrier3A)
    %scan3A_10 = arith.constant 0 : i32
    %scan3A_11 = arith.constant 79 : i32
    %scan3A_12 = arith.addi %scan3A_10, %scan3A_11 : i32
    %scan3A_13 = arith.constant 1 : i32
    scf.for %scan3A_19 = %scan3A_10 to %scan3A_12 step %scan3A_13  : i32 {
      %mul3A_20 = arith.constant 1 : i32
      %mul3A_21 = arith.muli %scan3A_19, %mul3A_20 : i32
      %add3A = arith.constant 0 : i32
      %add3A_22 = arith.addi %add3A, %mul3A_21 : i32
      %dma_start3A = arith.constant 0 : i32
      %dma_start3A_23 = tpu.memref_slice %arg6[%add3A_22, %dma_start3A] : memref<79x128xi32, #tpu.memory_space<vmem>> -> memref<1x128xi32, #tpu.memory_space<vmem>>
      %dma_start3A_24 = tpu.memref_squeeze %dma_start3A_23 : memref<1x128xi32, #tpu.memory_space<vmem>> -> memref<128xi32, #tpu.memory_space<vmem>>
      %dma_start3A_25 = arith.constant 0 : i32
      %dma_start3A_26 = arith.constant 0 : i32
      %dma_start3A_27 = tpu.memref_slice %arg2[%dma_start3A_25, %dma_start3A_26] : memref<10240x128xf32, #tpu.memory_space<hbm>> -> memref<10240x128xf32, #tpu.memory_space<hbm>>
      tpu.enqueue_indirect_dma source(%dma_start3A_27 : memref<10240x128xf32, #tpu.memory_space<hbm>>) target(%arg8 : memref<128x128xf32, #tpu.memory_space<vmem>>) offsets(%dma_start3A_24 : memref<128xi32, #tpu.memory_space<vmem>>) semaphore(%arg10 : memref<!tpu.dma_semaphore, #tpu.memory_space<semaphore_mem>>)
      %dma_wait3A = arith.constant 0 : i32
      %dma_wait3A_28 = tpu.memref_slice %arg6[%add3A_22, %dma_wait3A] : memref<79x128xi32, #tpu.memory_space<vmem>> -> memref<1x128xi32, #tpu.memory_space<vmem>>
      %dma_wait3A_29 = tpu.memref_squeeze %dma_wait3A_28 : memref<1x128xi32, #tpu.memory_space<vmem>> -> memref<128xi32, #tpu.memory_space<vmem>>
      %dma_wait3A_30 = arith.constant 0 : i32
      %dma_wait3A_31 = arith.constant 0 : i32
      %dma_wait3A_32 = tpu.memref_slice %arg2[%dma_wait3A_30, %dma_wait3A_31] : memref<10240x128xf32, #tpu.memory_space<hbm>> -> memref<10240x128xf32, #tpu.memory_space<hbm>>
      tpu.wait_indirect_dma semaphore(%arg10 : memref<!tpu.dma_semaphore, #tpu.memory_space<semaphore_mem>>) src(%dma_wait3A_32 : memref<10240x128xf32, #tpu.memory_space<hbm>>) dst(%arg8 : memref<128x128xf32, #tpu.memory_space<vmem>>)
      "tpu.region"() ({
        %run_scoped3A = tpu.sem_alloc : memref<!tpu.dma_semaphore, #tpu.memory_space<semaphore_mem>>
        %dma_start3A_33 = arith.constant 0 : i32
        %dma_start3A_34 = tpu.memref_slice %arg7[%add3A_22, %dma_start3A_33] : memref<79x128xi32, #tpu.memory_space<vmem>> -> memref<1x128xi32, #tpu.memory_space<vmem>>
        %dma_start3A_35 = tpu.memref_squeeze %dma_start3A_34 : memref<1x128xi32, #tpu.memory_space<vmem>> -> memref<128xi32, #tpu.memory_space<vmem>>
        %dma_start3A_36 = arith.constant 0 : i32
        %dma_start3A_37 = arith.constant 0 : i32
        %dma_start3A_38 = tpu.memref_slice %arg9[%dma_start3A_36, %dma_start3A_37] : memref<10240x128xf32, #tpu.memory_space<vmem_shared>> -> memref<10240x128xf32, #tpu.memory_space<vmem_shared>>
        tpu.enqueue_indirect_dma source(%arg8 : memref<128x128xf32, #tpu.memory_space<vmem>>) target(%dma_start3A_38 : memref<10240x128xf32, #tpu.memory_space<vmem_shared>>) offsets(%dma_start3A_35 : memref<128xi32, #tpu.memory_space<vmem>>) semaphore(%run_scoped3A : memref<!tpu.dma_semaphore, #tpu.memory_space<semaphore_mem>>) {add = true}
        %dma_wait3A_39 = arith.constant 0 : i32
        %dma_wait3A_40 = tpu.memref_slice %arg7[%add3A_22, %dma_wait3A_39] : memref<79x128xi32, #tpu.memory_space<vmem>> -> memref<1x128xi32, #tpu.memory_space<vmem>>
        %dma_wait3A_41 = tpu.memref_squeeze %dma_wait3A_40 : memref<1x128xi32, #tpu.memory_space<vmem>> -> memref<128xi32, #tpu.memory_space<vmem>>
        %dma_wait3A_42 = arith.constant 0 : i32
        %dma_wait3A_43 = arith.constant 0 : i32
        %dma_wait3A_44 = tpu.memref_slice %arg9[%dma_wait3A_42, %dma_wait3A_43] : memref<10240x128xf32, #tpu.memory_space<vmem_shared>> -> memref<10240x128xf32, #tpu.memory_space<vmem_shared>>
        tpu.wait_indirect_dma semaphore(%run_scoped3A : memref<!tpu.dma_semaphore, #tpu.memory_space<semaphore_mem>>) src(%arg8 : memref<128x128xf32, #tpu.memory_space<vmem>>) dst(%dma_wait3A_44 : memref<10240x128xf32, #tpu.memory_space<vmem_shared>>)
        tpu.yield
      }) : () -> ()
    }
    %scan3A_14 = arith.constant 79 : i32
    %barrier3A_15 = arith.constant 0 : index
    tpu.barrier barrier_id(%barrier3A_15)
    %mul3A = arith.constant 640 : i32
    %mul3A_16 = arith.muli %arg1, %mul3A : i32
    %mul3A_17 = arith.constant 640 : i32
    %mul3A_18 = arith.muli %arg1, %mul3A_17 : i32
    "tpu.region"() ({
      %run_scoped3A = tpu.sem_alloc : memref<!tpu.dma_semaphore, #tpu.memory_space<semaphore_mem>>
      %dma_start3A = arith.constant 0 : i32
      %dma_start3A_19 = tpu.memref_slice %arg5[%arg0, %mul3A_18, %dma_start3A] : memref<2x10240x128xf32, #tpu.memory_space<hbm>> -> memref<1x640x128xf32, #tpu.memory_space<hbm>>
      %dma_start3A_20 = tpu.memref_squeeze %dma_start3A_19 : memref<1x640x128xf32, #tpu.memory_space<hbm>> -> memref<640x128xf32, #tpu.memory_space<hbm>>
      %dma_start3A_21 = arith.constant 0 : i32
      %dma_start3A_22 = tpu.memref_slice %arg9[%mul3A_16, %dma_start3A_21] : memref<10240x128xf32, #tpu.memory_space<vmem_shared>> -> memref<640x128xf32, #tpu.memory_space<vmem_shared>>
      tpu.enqueue_dma source(%dma_start3A_22 : memref<640x128xf32, #tpu.memory_space<vmem_shared>>) target(%dma_start3A_20 : memref<640x128xf32, #tpu.memory_space<hbm>>) target_semaphore(%run_scoped3A : memref<!tpu.dma_semaphore, #tpu.memory_space<semaphore_mem>>)
      %dma_wait3A = arith.constant 0 : i32
      %dma_wait3A_23 = tpu.memref_slice %arg5[%arg0, %mul3A_18, %dma_wait3A] : memref<2x10240x128xf32, #tpu.memory_space<hbm>> -> memref<1x640x128xf32, #tpu.memory_space<hbm>>
      %dma_wait3A_24 = tpu.memref_squeeze %dma_wait3A_23 : memref<1x640x128xf32, #tpu.memory_space<hbm>> -> memref<640x128xf32, #tpu.memory_space<hbm>>
      %dma_wait3A_25 = arith.constant 0 : i32
      %dma_wait3A_26 = tpu.memref_slice %arg9[%mul3A_16, %dma_wait3A_25] : memref<10240x128xf32, #tpu.memory_space<vmem_shared>> -> memref<640x128xf32, #tpu.memory_space<vmem_shared>>
      tpu.wait_dma2 semaphore(%run_scoped3A : memref<!tpu.dma_semaphore, #tpu.memory_space<semaphore_mem>>) src(%dma_wait3A_26 : memref<640x128xf32, #tpu.memory_space<vmem_shared>>) dst(%dma_wait3A_24 : memref<640x128xf32, #tpu.memory_space<hbm>>)
      tpu.yield
    }) : () -> ()
    return
  }
}

#map = affine_map<(d0, d1) -> (0, 0)>
#map1 = affine_map<(d0, d1) -> (0, 0, 0, 0)>
#map2 = affine_map<(d0, d1) -> (0, 0, 0)>
module attributes {stable_mosaic.version = 14 : i64} {
  func.func @_scatter_body(%arg0: i32, %arg1: i32, %arg2: memref<10240x128xf32, #tpu.memory_space<hbm>>, %arg3: memref<2x16x79x128xi32, #tpu.memory_space<hbm>>, %arg4: memref<2x16x79x128xi32, #tpu.memory_space<hbm>>, %arg5: memref<2x10240x128xf32, #tpu.memory_space<hbm>>, %arg6: memref<79x128xi32, #tpu.memory_space<vmem>>, %arg7: memref<79x128xi32, #tpu.memory_space<vmem>>, %arg8: memref<128x128xf32, #tpu.memory_space<vmem>>, %arg9: memref<10240x128xf32, #tpu.memory_space<vmem_shared>>, %arg10: memref<!tpu.dma_semaphore, #tpu.memory_space<semaphore_mem>>) attributes {dimension_semantics = [#tpu.dimension_semantics<core_parallel>, #tpu.dimension_semantics<subcore_parallel>], iteration_bounds = array<i64: 2, 16>, scalar_prefetch = 0 : i64, scratch_operands = 5 : i64, tpu.core_type = #tpu.core_type<sc_vector_subcore>, window_params = [{transform_indices = #map}, {transform_indices = #map1}, {transform_indices = #map1}, {transform_indices = #map2}]} {
    "tpu.region"() ({
      %run_scoped3A = tpu.sem_alloc : memref<!tpu.dma_semaphore, #tpu.memory_space<semaphore_mem>>
      %dma_start3A = arith.constant 0 : i32
      %dma_start3A_19 = arith.constant 0 : i32
      %dma_start3A_20 = tpu.memref_slice %arg3[%arg0, %arg1, %dma_start3A, %dma_start3A_19] : memref<2x16x79x128xi32, #tpu.memory_space<hbm>> -> memref<1x1x79x128xi32, #tpu.memory_space<hbm>>
      %dma_start3A_21 = tpu.memref_squeeze %dma_start3A_20 : memref<1x1x79x128xi32, #tpu.memory_space<hbm>> -> memref<79x128xi32, #tpu.memory_space<hbm>>
      %dma_start3A_22 = arith.constant 0 : i32
      %dma_start3A_23 = arith.constant 0 : i32
      %dma_start3A_24 = tpu.memref_slice %arg3[%arg0, %arg1, %dma_start3A_22, %dma_start3A_23] : memref<2x16x79x128xi32, #tpu.memory_space<hbm>> -> memref<1x1x79x128xi32, #tpu.memory_space<hbm>>
      %dma_start3A_25 = tpu.memref_squeeze %dma_start3A_24 : memref<1x1x79x128xi32, #tpu.memory_space<hbm>> -> memref<79x128xi32, #tpu.memory_space<hbm>>
      tpu.enqueue_dma source(%dma_start3A_25 : memref<79x128xi32, #tpu.memory_space<hbm>>) target(%arg6 : memref<79x128xi32, #tpu.memory_space<vmem>>) target_semaphore(%run_scoped3A : memref<!tpu.dma_semaphore, #tpu.memory_space<semaphore_mem>>)
      %dma_wait3A = arith.constant 0 : i32
      %dma_wait3A_26 = arith.constant 0 : i32
      %dma_wait3A_27 = tpu.memref_slice %arg3[%arg0, %arg1, %dma_wait3A, %dma_wait3A_26] : memref<2x16x79x128xi32, #tpu.memory_space<hbm>> -> memref<1x1x79x128xi32, #tpu.memory_space<hbm>>
      %dma_wait3A_28 = tpu.memref_squeeze %dma_wait3A_27 : memref<1x1x79x128xi32, #tpu.memory_space<hbm>> -> memref<79x128xi32, #tpu.memory_space<hbm>>
      %dma_wait3A_29 = arith.constant 0 : i32
      %dma_wait3A_30 = arith.constant 0 : i32
      %dma_wait3A_31 = tpu.memref_slice %arg3[%arg0, %arg1, %dma_wait3A_29, %dma_wait3A_30] : memref<2x16x79x128xi32, #tpu.memory_space<hbm>> -> memref<1x1x79x128xi32, #tpu.memory_space<hbm>>
      %dma_wait3A_32 = tpu.memref_squeeze %dma_wait3A_31 : memref<1x1x79x128xi32, #tpu.memory_space<hbm>> -> memref<79x128xi32, #tpu.memory_space<hbm>>
      tpu.wait_dma2 semaphore(%run_scoped3A : memref<!tpu.dma_semaphore, #tpu.memory_space<semaphore_mem>>) src(%dma_wait3A_32 : memref<79x128xi32, #tpu.memory_space<hbm>>) dst(%arg6 : memref<79x128xi32, #tpu.memory_space<vmem>>)
      tpu.yield
    }) : () -> ()
    "tpu.region"() ({
      %run_scoped3A = tpu.sem_alloc : memref<!tpu.dma_semaphore, #tpu.memory_space<semaphore_mem>>
      %dma_start3A = arith.constant 0 : i32
      %dma_start3A_19 = arith.constant 0 : i32
      %dma_start3A_20 = tpu.memref_slice %arg4[%arg0, %arg1, %dma_start3A, %dma_start3A_19] : memref<2x16x79x128xi32, #tpu.memory_space<hbm>> -> memref<1x1x79x128xi32, #tpu.memory_space<hbm>>
      %dma_start3A_21 = tpu.memref_squeeze %dma_start3A_20 : memref<1x1x79x128xi32, #tpu.memory_space<hbm>> -> memref<79x128xi32, #tpu.memory_space<hbm>>
      %dma_start3A_22 = arith.constant 0 : i32
      %dma_start3A_23 = arith.constant 0 : i32
      %dma_start3A_24 = tpu.memref_slice %arg4[%arg0, %arg1, %dma_start3A_22, %dma_start3A_23] : memref<2x16x79x128xi32, #tpu.memory_space<hbm>> -> memref<1x1x79x128xi32, #tpu.memory_space<hbm>>
      %dma_start3A_25 = tpu.memref_squeeze %dma_start3A_24 : memref<1x1x79x128xi32, #tpu.memory_space<hbm>> -> memref<79x128xi32, #tpu.memory_space<hbm>>
      tpu.enqueue_dma source(%dma_start3A_25 : memref<79x128xi32, #tpu.memory_space<hbm>>) target(%arg7 : memref<79x128xi32, #tpu.memory_space<vmem>>) target_semaphore(%run_scoped3A : memref<!tpu.dma_semaphore, #tpu.memory_space<semaphore_mem>>)
      %dma_wait3A = arith.constant 0 : i32
      %dma_wait3A_26 = arith.constant 0 : i32
      %dma_wait3A_27 = tpu.memref_slice %arg4[%arg0, %arg1, %dma_wait3A, %dma_wait3A_26] : memref<2x16x79x128xi32, #tpu.memory_space<hbm>> -> memref<1x1x79x128xi32, #tpu.memory_space<hbm>>
      %dma_wait3A_28 = tpu.memref_squeeze %dma_wait3A_27 : memref<1x1x79x128xi32, #tpu.memory_space<hbm>> -> memref<79x128xi32, #tpu.memory_space<hbm>>
      %dma_wait3A_29 = arith.constant 0 : i32
      %dma_wait3A_30 = arith.constant 0 : i32
      %dma_wait3A_31 = tpu.memref_slice %arg4[%arg0, %arg1, %dma_wait3A_29, %dma_wait3A_30] : memref<2x16x79x128xi32, #tpu.memory_space<hbm>> -> memref<1x1x79x128xi32, #tpu.memory_space<hbm>>
      %dma_wait3A_32 = tpu.memref_squeeze %dma_wait3A_31 : memref<1x1x79x128xi32, #tpu.memory_space<hbm>> -> memref<79x128xi32, #tpu.memory_space<hbm>>
      tpu.wait_dma2 semaphore(%run_scoped3A : memref<!tpu.dma_semaphore, #tpu.memory_space<semaphore_mem>>) src(%dma_wait3A_32 : memref<79x128xi32, #tpu.memory_space<hbm>>) dst(%arg7 : memref<79x128xi32, #tpu.memory_space<vmem>>)
      tpu.yield
    }) : () -> ()
    %broadcast_in_dim3A = arith.constant 0.000000e+00 : f32
    %broadcast_in_dim3A_0 = vector.broadcast %broadcast_in_dim3A : f32 to vector<16xf32>
    %scan3A = arith.constant 0 : i32
    %scan3A_1 = arith.constant 128 : i32
    %scan3A_2 = arith.addi %scan3A, %scan3A_1 : i32
    %scan3A_3 = arith.constant 1 : i32
    scf.for %scan3A_19 = %scan3A to %scan3A_2 step %scan3A_3  : i32 {
      %mul3A_20 = arith.constant 1 : i32
      %mul3A_21 = arith.muli %scan3A_19, %mul3A_20 : i32
      %add3A = arith.constant 0 : i32
      %add3A_22 = arith.addi %add3A, %mul3A_21 : i32
      %swap3A = arith.index_cast %add3A_22 : i32 to index
      %swap3A_23 = arith.constant 0 : index
      %swap3A_24 = tpu.vector_load %arg8[%swap3A, %swap3A_23] {strides = array<i32>} : memref<128x128xf32, #tpu.memory_space<vmem>>, vector<1x16xf32>,
      %swap3A_25 = vector.shape_cast %swap3A_24 : vector<1x16xf32> to vector<16xf32>
      %swap3A_26 = vector.shape_cast %broadcast_in_dim3A_0 : vector<16xf32> to vector<1x16xf32>
      tpu.vector_store %arg8[%swap3A, %swap3A_23], %swap3A_26 {strides = array<i32>} : memref<128x128xf32, #tpu.memory_space<vmem>>, vector<1x16xf32>,
      %swap3A_27 = arith.index_cast %add3A_22 : i32 to index
      %swap3A_28 = arith.constant 16 : index
      %swap3A_29 = tpu.vector_load %arg8[%swap3A_27, %swap3A_28] {strides = array<i32>} : memref<128x128xf32, #tpu.memory_space<vmem>>, vector<1x16xf32>,
      %swap3A_30 = vector.shape_cast %swap3A_29 : vector<1x16xf32> to vector<16xf32>
      %swap3A_31 = vector.shape_cast %broadcast_in_dim3A_0 : vector<16xf32> to vector<1x16xf32>
      tpu.vector_store %arg8[%swap3A_27, %swap3A_28], %swap3A_31 {strides = array<i32>} : memref<128x128xf32, #tpu.memory_space<vmem>>, vector<1x16xf32>,
      %swap3A_32 = arith.index_cast %add3A_22 : i32 to index
      %swap3A_33 = arith.constant 32 : index
      %swap3A_34 = tpu.vector_load %arg8[%swap3A_32, %swap3A_33] {strides = array<i32>} : memref<128x128xf32, #tpu.memory_space<vmem>>, vector<1x16xf32>,
      %swap3A_35 = vector.shape_cast %swap3A_34 : vector<1x16xf32> to vector<16xf32>
      %swap3A_36 = vector.shape_cast %broadcast_in_dim3A_0 : vector<16xf32> to vector<1x16xf32>
      tpu.vector_store %arg8[%swap3A_32, %swap3A_33], %swap3A_36 {strides = array<i32>} : memref<128x128xf32, #tpu.memory_space<vmem>>, vector<1x16xf32>,
      %swap3A_37 = arith.index_cast %add3A_22 : i32 to index
      %swap3A_38 = arith.constant 48 : index
      %swap3A_39 = tpu.vector_load %arg8[%swap3A_37, %swap3A_38] {strides = array<i32>} : memref<128x128xf32, #tpu.memory_space<vmem>>, vector<1x16xf32>,
      %swap3A_40 = vector.shape_cast %swap3A_39 : vector<1x16xf32> to vector<16xf32>
      %swap3A_41 = vector.shape_cast %broadcast_in_dim3A_0 : vector<16xf32> to vector<1x16xf32>
      tpu.vector_store %arg8[%swap3A_37, %swap3A_38], %swap3A_41 {strides = array<i32>} : memref<128x128xf32, #tpu.memory_space<vmem>>, vector<1x16xf32>,
      %swap3A_42 = arith.index_cast %add3A_22 : i32 to index
      %swap3A_43 = arith.constant 64 : index
      %swap3A_44 = tpu.vector_load %arg8[%swap3A_42, %swap3A_43] {strides = array<i32>} : memref<128x128xf32, #tpu.memory_space<vmem>>, vector<1x16xf32>,
      %swap3A_45 = vector.shape_cast %swap3A_44 : vector<1x16xf32> to vector<16xf32>
      %swap3A_46 = vector.shape_cast %broadcast_in_dim3A_0 : vector<16xf32> to vector<1x16xf32>
      tpu.vector_store %arg8[%swap3A_42, %swap3A_43], %swap3A_46 {strides = array<i32>} : memref<128x128xf32, #tpu.memory_space<vmem>>, vector<1x16xf32>,
      %swap3A_47 = arith.index_cast %add3A_22 : i32 to index
      %swap3A_48 = arith.constant 80 : index
      %swap3A_49 = tpu.vector_load %arg8[%swap3A_47, %swap3A_48] {strides = array<i32>} : memref<128x128xf32, #tpu.memory_space<vmem>>, vector<1x16xf32>,
      %swap3A_50 = vector.shape_cast %swap3A_49 : vector<1x16xf32> to vector<16xf32>
      %swap3A_51 = vector.shape_cast %broadcast_in_dim3A_0 : vector<16xf32> to vector<1x16xf32>
      tpu.vector_store %arg8[%swap3A_47, %swap3A_48], %swap3A_51 {strides = array<i32>} : memref<128x128xf32, #tpu.memory_space<vmem>>, vector<1x16xf32>,
      %swap3A_52 = arith.index_cast %add3A_22 : i32 to index
      %swap3A_53 = arith.constant 96 : index
      %swap3A_54 = tpu.vector_load %arg8[%swap3A_52, %swap3A_53] {strides = array<i32>} : memref<128x128xf32, #tpu.memory_space<vmem>>, vector<1x16xf32>,
      %swap3A_55 = vector.shape_cast %swap3A_54 : vector<1x16xf32> to vector<16xf32>
      %swap3A_56 = vector.shape_cast %broadcast_in_dim3A_0 : vector<16xf32> to vector<1x16xf32>
      tpu.vector_store %arg8[%swap3A_52, %swap3A_53], %swap3A_56 {strides = array<i32>} : memref<128x128xf32, #tpu.memory_space<vmem>>, vector<1x16xf32>,
      %swap3A_57 = arith.index_cast %add3A_22 : i32 to index
      %swap3A_58 = arith.constant 112 : index
      %swap3A_59 = tpu.vector_load %arg8[%swap3A_57, %swap3A_58] {strides = array<i32>} : memref<128x128xf32, #tpu.memory_space<vmem>>, vector<1x16xf32>,
      %swap3A_60 = vector.shape_cast %swap3A_59 : vector<1x16xf32> to vector<16xf32>
      %swap3A_61 = vector.shape_cast %broadcast_in_dim3A_0 : vector<16xf32> to vector<1x16xf32>
      tpu.vector_store %arg8[%swap3A_57, %swap3A_58], %swap3A_61 {strides = array<i32>} : memref<128x128xf32, #tpu.memory_space<vmem>>, vector<1x16xf32>,
    }
    %scan3A_4 = arith.constant 128 : i32
    %scan3A_5 = arith.constant 0 : i32
    %scan3A_6 = arith.constant 5 : i32
    %scan3A_7 = arith.addi %scan3A_5, %scan3A_6 : i32
    %scan3A_8 = arith.constant 1 : i32
    scf.for %scan3A_19 = %scan3A_5 to %scan3A_7 step %scan3A_8  : i32 {
      %mul3A_20 = arith.constant 1 : i32
      %mul3A_21 = arith.muli %scan3A_19, %mul3A_20 : i32
      %add3A = arith.constant 0 : i32
      %add3A_22 = arith.addi %add3A, %mul3A_21 : i32
      %mul3A_23 = arith.constant 640 : i32
      %mul3A_24 = arith.muli %arg1, %mul3A_23 : i32
      %mul3A_25 = arith.constant 128 : i32
      %mul3A_26 = arith.muli %add3A_22, %mul3A_25 : i32
      %add3A_27 = arith.addi %mul3A_24, %mul3A_26 : i32
      "tpu.region"() ({
        %run_scoped3A = tpu.sem_alloc : memref<!tpu.dma_semaphore, #tpu.memory_space<semaphore_mem>>
        %dma_start3A = arith.constant 0 : i32
        %dma_start3A_28 = tpu.memref_slice %arg9[%add3A_27, %dma_start3A] : memref<10240x128xf32, #tpu.memory_space<vmem_shared>> -> memref<128x128xf32, #tpu.memory_space<vmem_shared>>
        %dma_start3A_29 = arith.constant 0 : i32
        %dma_start3A_30 = tpu.memref_slice %arg9[%add3A_27, %dma_start3A_29] : memref<10240x128xf32, #tpu.memory_space<vmem_shared>> -> memref<128x128xf32, #tpu.memory_space<vmem_shared>>
        tpu.enqueue_dma source(%arg8 : memref<128x128xf32, #tpu.memory_space<vmem>>) target(%dma_start3A_30 : memref<128x128xf32, #tpu.memory_space<vmem_shared>>) target_semaphore(%run_scoped3A : memref<!tpu.dma_semaphore, #tpu.memory_space<semaphore_mem>>)
        %dma_wait3A = arith.constant 0 : i32
        %dma_wait3A_31 = tpu.memref_slice %arg9[%add3A_27, %dma_wait3A] : memref<10240x128xf32, #tpu.memory_space<vmem_shared>> -> memref<128x128xf32, #tpu.memory_space<vmem_shared>>
        %dma_wait3A_32 = arith.constant 0 : i32
        %dma_wait3A_33 = tpu.memref_slice %arg9[%add3A_27, %dma_wait3A_32] : memref<10240x128xf32, #tpu.memory_space<vmem_shared>> -> memref<128x128xf32, #tpu.memory_space<vmem_shared>>
        tpu.wait_dma2 semaphore(%run_scoped3A : memref<!tpu.dma_semaphore, #tpu.memory_space<semaphore_mem>>) src(%arg8 : memref<128x128xf32, #tpu.memory_space<vmem>>) dst(%dma_wait3A_33 : memref<128x128xf32, #tpu.memory_space<vmem_shared>>)
        tpu.yield
      }) : () -> ()
    }
    %scan3A_9 = arith.constant 5 : i32
    %barrier3A = arith.constant 0 : index
    tpu.barrier barrier_id(%barrier3A)
    %scan3A_10 = arith.constant 0 : i32
    %scan3A_11 = arith.constant 79 : i32
    %scan3A_12 = arith.addi %scan3A_10, %scan3A_11 : i32
    %scan3A_13 = arith.constant 1 : i32
    scf.for %scan3A_19 = %scan3A_10 to %scan3A_12 step %scan3A_13  : i32 {
      %mul3A_20 = arith.constant 1 : i32
      %mul3A_21 = arith.muli %scan3A_19, %mul3A_20 : i32
      %add3A = arith.constant 0 : i32
      %add3A_22 = arith.addi %add3A, %mul3A_21 : i32
      %dma_start3A = arith.constant 0 : i32
      %dma_start3A_23 = tpu.memref_slice %arg6[%add3A_22, %dma_start3A] : memref<79x128xi32, #tpu.memory_space<vmem>> -> memref<1x128xi32, #tpu.memory_space<vmem>>
      %dma_start3A_24 = tpu.memref_squeeze %dma_start3A_23 : memref<1x128xi32, #tpu.memory_space<vmem>> -> memref<128xi32, #tpu.memory_space<vmem>>
      %dma_start3A_25 = arith.constant 0 : i32
      %dma_start3A_26 = arith.constant 0 : i32
      %dma_start3A_27 = tpu.memref_slice %arg2[%dma_start3A_25, %dma_start3A_26] : memref<10240x128xf32, #tpu.memory_space<hbm>> -> memref<10240x128xf32, #tpu.memory_space<hbm>>
      tpu.enqueue_indirect_dma source(%dma_start3A_27 : memref<10240x128xf32, #tpu.memory_space<hbm>>) target(%arg8 : memref<128x128xf32, #tpu.memory_space<vmem>>) offsets(%dma_start3A_24 : memref<128xi32, #tpu.memory_space<vmem>>) semaphore(%arg10 : memref<!tpu.dma_semaphore, #tpu.memory_space<semaphore_mem>>)
      %dma_wait3A = arith.constant 0 : i32
      %dma_wait3A_28 = tpu.memref_slice %arg6[%add3A_22, %dma_wait3A] : memref<79x128xi32, #tpu.memory_space<vmem>> -> memref<1x128xi32, #tpu.memory_space<vmem>>
      %dma_wait3A_29 = tpu.memref_squeeze %dma_wait3A_28 : memref<1x128xi32, #tpu.memory_space<vmem>> -> memref<128xi32, #tpu.memory_space<vmem>>
      %dma_wait3A_30 = arith.constant 0 : i32
      %dma_wait3A_31 = arith.constant 0 : i32
      %dma_wait3A_32 = tpu.memref_slice %arg2[%dma_wait3A_30, %dma_wait3A_31] : memref<10240x128xf32, #tpu.memory_space<hbm>> -> memref<10240x128xf32, #tpu.memory_space<hbm>>
      tpu.wait_indirect_dma semaphore(%arg10 : memref<!tpu.dma_semaphore, #tpu.memory_space<semaphore_mem>>) src(%dma_wait3A_32 : memref<10240x128xf32, #tpu.memory_space<hbm>>) dst(%arg8 : memref<128x128xf32, #tpu.memory_space<vmem>>)
      "tpu.region"() ({
        %run_scoped3A = tpu.sem_alloc : memref<!tpu.dma_semaphore, #tpu.memory_space<semaphore_mem>>
        %dma_start3A_33 = arith.constant 0 : i32
        %dma_start3A_34 = tpu.memref_slice %arg7[%add3A_22, %dma_start3A_33] : memref<79x128xi32, #tpu.memory_space<vmem>> -> memref<1x128xi32, #tpu.memory_space<vmem>>
        %dma_start3A_35 = tpu.memref_squeeze %dma_start3A_34 : memref<1x128xi32, #tpu.memory_space<vmem>> -> memref<128xi32, #tpu.memory_space<vmem>>
        %dma_start3A_36 = arith.constant 0 : i32
        %dma_start3A_37 = arith.constant 0 : i32
        %dma_start3A_38 = tpu.memref_slice %arg9[%dma_start3A_36, %dma_start3A_37] : memref<10240x128xf32, #tpu.memory_space<vmem_shared>> -> memref<10240x128xf32, #tpu.memory_space<vmem_shared>>
        tpu.enqueue_indirect_dma source(%arg8 : memref<128x128xf32, #tpu.memory_space<vmem>>) target(%dma_start3A_38 : memref<10240x128xf32, #tpu.memory_space<vmem_shared>>) offsets(%dma_start3A_35 : memref<128xi32, #tpu.memory_space<vmem>>) semaphore(%run_scoped3A : memref<!tpu.dma_semaphore, #tpu.memory_space<semaphore_mem>>) {add = true}
        %dma_wait3A_39 = arith.constant 0 : i32
        %dma_wait3A_40 = tpu.memref_slice %arg7[%add3A_22, %dma_wait3A_39] : memref<79x128xi32, #tpu.memory_space<vmem>> -> memref<1x128xi32, #tpu.memory_space<vmem>>
        %dma_wait3A_41 = tpu.memref_squeeze %dma_wait3A_40 : memref<1x128xi32, #tpu.memory_space<vmem>> -> memref<128xi32, #tpu.memory_space<vmem>>
        %dma_wait3A_42 = arith.constant 0 : i32
        %dma_wait3A_43 = arith.constant 0 : i32
        %dma_wait3A_44 = tpu.memref_slice %arg9[%dma_wait3A_42, %dma_wait3A_43] : memref<10240x128xf32, #tpu.memory_space<vmem_shared>> -> memref<10240x128xf32, #tpu.memory_space<vmem_shared>>
        tpu.wait_indirect_dma semaphore(%run_scoped3A : memref<!tpu.dma_semaphore, #tpu.memory_space<semaphore_mem>>) src(%arg8 : memref<128x128xf32, #tpu.memory_space<vmem>>) dst(%dma_wait3A_44 : memref<10240x128xf32, #tpu.memory_space<vmem_shared>>)
        tpu.yield
      }) : () -> ()
    }
    %scan3A_14 = arith.constant 79 : i32
    %barrier3A_15 = arith.constant 0 : index
    tpu.barrier barrier_id(%barrier3A_15)
    %mul3A = arith.constant 640 : i32
    %mul3A_16 = arith.muli %arg1, %mul3A : i32
    %mul3A_17 = arith.constant 640 : i32
    %mul3A_18 = arith.muli %arg1, %mul3A_17 : i32
    "tpu.region"() ({
      %run_scoped3A = tpu.sem_alloc : memref<!tpu.dma_semaphore, #tpu.memory_space<semaphore_mem>>
      %dma_start3A = arith.constant 0 : i32
      %dma_start3A_19 = tpu.memref_slice %arg5[%arg0, %mul3A_18, %dma_start3A] : memref<2x10240x128xf32, #tpu.memory_space<hbm>> -> memref<1x640x128xf32, #tpu.memory_space<hbm>>
      %dma_start3A_20 = tpu.memref_squeeze %dma_start3A_19 : memref<1x640x128xf32, #tpu.memory_space<hbm>> -> memref<640x128xf32, #tpu.memory_space<hbm>>
      %dma_start3A_21 = arith.constant 0 : i32
      %dma_start3A_22 = tpu.memref_slice %arg9[%mul3A_16, %dma_start3A_21] : memref<10240x128xf32, #tpu.memory_space<vmem_shared>> -> memref<640x128xf32, #tpu.memory_space<vmem_shared>>
      tpu.enqueue_dma source(%dma_start3A_22 : memref<640x128xf32, #tpu.memory_space<vmem_shared>>) target(%dma_start3A_20 : memref<640x128xf32, #tpu.memory_space<hbm>>) target_semaphore(%run_scoped3A : memref<!tpu.dma_semaphore, #tpu.memory_space<semaphore_mem>>)
      %dma_wait3A = arith.constant 0 : i32
      %dma_wait3A_23 = tpu.memref_slice %arg5[%arg0, %mul3A_18, %dma_wait3A] : memref<2x10240x128xf32, #tpu.memory_space<hbm>> -> memref<1x640x128xf32, #tpu.memory_space<hbm>>
      %dma_wait3A_24 = tpu.memref_squeeze %dma_wait3A_23 : memref<1x640x128xf32, #tpu.memory_space<hbm>> -> memref<640x128xf32, #tpu.memory_space<hbm>>
      %dma_wait3A_25 = arith.constant 0 : i32
      %dma_wait3A_26 = tpu.memref_slice %arg9[%mul3A_16, %dma_wait3A_25] : memref<10240x128xf32, #tpu.memory_space<vmem_shared>> -> memref<640x128xf32, #tpu.memory_space<vmem_shared>>
      tpu.wait_dma2 semaphore(%run_scoped3A : memref<!tpu.dma_semaphore, #tpu.memory_space<semaphore_mem>>) src(%dma_wait3A_26 : memref<640x128xf32, #tpu.memory_space<vmem_shared>>) dst(%dma_wait3A_24 : memref<640x128xf32, #tpu.memory_space<hbm>>)
      tpu.yield
    }) : () -> ()
    return
  }
}

module attributes {stable_mosaic.version = 14 : i64} {
  func.func @_mm_body(%arg0: i32, %arg1: memref<2048x128xf32, #tpu.memory_space<vmem>>, %arg2: memref<128x128xf32, #tpu.memory_space<vmem>>, %arg3: memref<2048x128xf32, #tpu.memory_space<vmem>>) attributes {dimension_semantics = [#tpu.dimension_semantics<arbitrary>], iteration_bounds = array<i64: 5>, scalar_prefetch = 0 : i64, scratch_operands = 0 : i64, tpu.core_type = #tpu.core_type<tc>, window_params = [{transform_indices = @transform_0, window_bounds = array<i64: 2048, 128>}, {pipeline_mode = #tpu.pipeline_mode<synchronous>, transform_indices = @transform_1, window_bounds = array<i64: 128, 128>}, {transform_indices = @transform_2, window_bounds = array<i64: 2048, 128>}]} {
    %get3A = arith.constant 0 : index
    %get3A_0 = arith.constant 0 : index
    %get3A_1 = vector.load %arg1[%get3A, %get3A_0] : memref<2048x128xf32, #tpu.memory_space<vmem>>, vector<2048x128xf32>
    %get3A_2 = arith.constant 0 : index
    %get3A_3 = arith.constant 0 : index
    %get3A_4 = vector.load %arg2[%get3A_2, %get3A_3] : memref<128x128xf32, #tpu.memory_space<vmem>>, vector<128x128xf32>
    %dot_general3A = arith.constant dense<0.000000e+00> : vector<2048x128xf32>
    %dot_general3A_5 = tpu.matmul %get3A_1, %get3A_4, %dot_general3A {dimension_numbers = #tpu.dot_dimension_numbers<[1], [0], [0], [1], [0, 0, 1, 1], [], []>, precision = #tpu.contract_precision<fp32>, transpose_lhs_hint = false} : vector<2048x128xf32>, vector<128x128xf32>, vector<2048x128xf32> -> vector<2048x128xf32>
    %swap3A = arith.constant 0 : index
    %swap3A_6 = arith.constant 0 : index
    %swap3A_7 = vector.load %arg3[%swap3A, %swap3A_6] : memref<2048x128xf32, #tpu.memory_space<vmem>>, vector<2048x128xf32>
    tpu.vector_store %arg3[%swap3A, %swap3A_6], %dot_general3A_5 {strides = array<i32>} : memref<2048x128xf32, #tpu.memory_space<vmem>>, vector<2048x128xf32>,
    return
  }
  func.func @transform_0(%arg0: i32) -> (i32, i32) {
    %c0_i32 = arith.constant 0 : i32
    %c0_i32_0 = arith.constant 0 : i32
    return %arg0, %c0_i32 : i32, i32
  }
  func.func @transform_1(%arg0: i32) -> (i32, i32) {
    %c0_i32 = arith.constant 0 : i32
    %c0_i32_0 = arith.constant 0 : i32
    %c0_i32_1 = arith.constant 0 : i32
    return %c0_i32, %c0_i32_0 : i32, i32
  }
  func.func @transform_2(%arg0: i32) -> (i32, i32) {
    %c0_i32 = arith.constant 0 : i32
    %c0_i32_0 = arith.constant 0 : i32
    return %arg0, %c0_i32 : i32, i32
  }
}

module attributes {stable_mosaic.version = 14 : i64} {
  func.func @_scale_body(%arg0: i32, %arg1: memref<2048x128xf32, #tpu.memory_space<vmem>>, %arg2: memref<2048x128xf32, #tpu.memory_space<vmem>>, %arg3: memref<2048x128xf32, #tpu.memory_space<vmem>>, %arg4: memref<2048x1xf32, #tpu.memory_space<vmem>>, %arg5: memref<2048x128xf32, #tpu.memory_space<vmem>>) attributes {dimension_semantics = [#tpu.dimension_semantics<arbitrary>], iteration_bounds = array<i64: 5>, scalar_prefetch = 0 : i64, scratch_operands = 0 : i64, tpu.core_type = #tpu.core_type<tc>, window_params = [{transform_indices = @transform_0, window_bounds = array<i64: 2048, 128>}, {transform_indices = @transform_1, window_bounds = array<i64: 2048, 128>}, {transform_indices = @transform_2, window_bounds = array<i64: 2048, 128>}, {transform_indices = @transform_3, window_bounds = array<i64: 2048, 1>}, {transform_indices = @transform_4, window_bounds = array<i64: 2048, 128>}]} {
    %get3A = arith.constant 0 : index
    %get3A_0 = arith.constant 0 : index
    %get3A_1 = vector.load %arg1[%get3A, %get3A_0] : memref<2048x128xf32, #tpu.memory_space<vmem>>, vector<2048x128xf32>
    %slice3A = vector.extract_strided_slice %get3A_1 {offsets = [0, 0], sizes = [2048, 1], strides = [1, 1]} : vector<2048x128xf32> to vector<2048x1xf32>
    %get3A_2 = arith.constant 0 : index
    %get3A_3 = arith.constant 0 : index
    %get3A_4 = vector.load %arg2[%get3A_2, %get3A_3] : memref<2048x128xf32, #tpu.memory_space<vmem>>, vector<2048x128xf32>
    %slice3A_5 = vector.extract_strided_slice %get3A_4 {offsets = [0, 0], sizes = [2048, 1], strides = [1, 1]} : vector<2048x128xf32> to vector<2048x1xf32>
    %add3A = arith.addf %slice3A, %slice3A_5 : vector<2048x1xf32>
    %add3A_6 = arith.constant 1.000000e+00 : f32
    %add3A_7 = vector.broadcast %add3A_6 : f32 to vector<2048x1xf32>
    %add3A_8 = arith.addf %add3A, %add3A_7 : vector<2048x1xf32>
    %rsqrt3A = math.rsqrt %add3A_8 : vector<2048x1xf32>
    %swap3A = arith.constant 0 : index
    %swap3A_9 = arith.constant 0 : index
    %swap3A_10 = vector.load %arg4[%swap3A, %swap3A_9] : memref<2048x1xf32, #tpu.memory_space<vmem>>, vector<2048x1xf32>
    tpu.vector_store %arg4[%swap3A, %swap3A_9], %rsqrt3A {strides = array<i32>} : memref<2048x1xf32, #tpu.memory_space<vmem>>, vector<2048x1xf32>,
    %get3A_11 = arith.constant 0 : index
    %get3A_12 = arith.constant 0 : index
    %get3A_13 = vector.load %arg3[%get3A_11, %get3A_12] : memref<2048x128xf32, #tpu.memory_space<vmem>>, vector<2048x128xf32>
    %mul3A = vector.broadcast %rsqrt3A : vector<2048x1xf32> to vector<2048x128xf32>
    %mul3A_14 = arith.mulf %get3A_13, %mul3A : vector<2048x128xf32>
    %swap3A_15 = arith.constant 0 : index
    %swap3A_16 = arith.constant 0 : index
    %swap3A_17 = vector.load %arg5[%swap3A_15, %swap3A_16] : memref<2048x128xf32, #tpu.memory_space<vmem>>, vector<2048x128xf32>
    tpu.vector_store %arg5[%swap3A_15, %swap3A_16], %mul3A_14 {strides = array<i32>} : memref<2048x128xf32, #tpu.memory_space<vmem>>, vector<2048x128xf32>,
    return
  }
  func.func @transform_0(%arg0: i32) -> (i32, i32) {
    %c0_i32 = arith.constant 0 : i32
    %c0_i32_0 = arith.constant 0 : i32
    return %arg0, %c0_i32 : i32, i32
  }
  func.func @transform_1(%arg0: i32) -> (i32, i32) {
    %c0_i32 = arith.constant 0 : i32
    %c0_i32_0 = arith.constant 0 : i32
    return %arg0, %c0_i32 : i32, i32
  }
  func.func @transform_2(%arg0: i32) -> (i32, i32) {
    %c0_i32 = arith.constant 0 : i32
    %c0_i32_0 = arith.constant 0 : i32
    return %arg0, %c0_i32 : i32, i32
  }
  func.func @transform_3(%arg0: i32) -> (i32, i32) {
    %c0_i32 = arith.constant 0 : i32
    %c0_i32_0 = arith.constant 0 : i32
    return %arg0, %c0_i32 : i32, i32
  }
  func.func @transform_4(%arg0: i32) -> (i32, i32) {
    %c0_i32 = arith.constant 0 : i32
    %c0_i32_0 = arith.constant 0 : i32
    return %arg0, %c0_i32 : i32, i32
  }
}

module attributes {stable_mosaic.version = 14 : i64} {
  func.func @_mid_body(%arg0: i32, %arg1: memref<2048x128xf32, #tpu.memory_space<vmem>>, %arg2: memref<2048x128xf32, #tpu.memory_space<vmem>>, %arg3: memref<2048x128xf32, #tpu.memory_space<vmem>>, %arg4: memref<2048x1xf32, #tpu.memory_space<vmem>>, %arg5: memref<1x128xf32, #tpu.memory_space<vmem>>, %arg6: memref<128x128xf32, #tpu.memory_space<vmem>>, %arg7: memref<2048x128xf32, #tpu.memory_space<vmem>>) attributes {dimension_semantics = [#tpu.dimension_semantics<arbitrary>], iteration_bounds = array<i64: 5>, scalar_prefetch = 0 : i64, scratch_operands = 0 : i64, tpu.core_type = #tpu.core_type<tc>, window_params = [{transform_indices = @transform_0, window_bounds = array<i64: 2048, 128>}, {transform_indices = @transform_1, window_bounds = array<i64: 2048, 128>}, {transform_indices = @transform_2, window_bounds = array<i64: 2048, 128>}, {transform_indices = @transform_3, window_bounds = array<i64: 2048, 1>}, {pipeline_mode = #tpu.pipeline_mode<synchronous>, transform_indices = @transform_4, window_bounds = array<i64: 1, 128>}, {pipeline_mode = #tpu.pipeline_mode<synchronous>, transform_indices = @transform_5, window_bounds = array<i64: 128, 128>}, {transform_indices = @transform_6, window_bounds = array<i64: 2048, 128>}]} {
    %get3A = arith.constant 0 : index
    %get3A_0 = arith.constant 0 : index
    %get3A_1 = vector.load %arg1[%get3A, %get3A_0] : memref<2048x128xf32, #tpu.memory_space<vmem>>, vector<2048x128xf32>
    %get3A_2 = arith.constant 0 : index
    %get3A_3 = arith.constant 0 : index
    %get3A_4 = vector.load %arg2[%get3A_2, %get3A_3] : memref<2048x128xf32, #tpu.memory_space<vmem>>, vector<2048x128xf32>
    %add3A = arith.addf %get3A_1, %get3A_4 : vector<2048x128xf32>
    %get3A_5 = arith.constant 0 : index
    %get3A_6 = arith.constant 0 : index
    %get3A_7 = vector.load %arg3[%get3A_5, %get3A_6] : memref<2048x128xf32, #tpu.memory_space<vmem>>, vector<2048x128xf32>
    %add3A_8 = arith.addf %add3A, %get3A_7 : vector<2048x128xf32>
    %get3A_9 = arith.constant 0 : index
    %get3A_10 = arith.constant 0 : index
    %get3A_11 = vector.load %arg4[%get3A_9, %get3A_10] : memref<2048x1xf32, #tpu.memory_space<vmem>>, vector<2048x1xf32>
    %mul3A = vector.broadcast %get3A_11 : vector<2048x1xf32> to vector<2048x128xf32>
    %mul3A_12 = arith.mulf %add3A_8, %mul3A : vector<2048x128xf32>
    %get3A_13 = arith.constant 0 : index
    %get3A_14 = arith.constant 0 : index
    %get3A_15 = vector.load %arg5[%get3A_13, %get3A_14] : memref<1x128xf32, #tpu.memory_space<vmem>>, vector<1x128xf32>
    %add3A_16 = vector.broadcast %get3A_15 : vector<1x128xf32> to vector<2048x128xf32>
    %add3A_17 = arith.addf %mul3A_12, %add3A_16 : vector<2048x128xf32>
    %max3A = arith.constant 0.000000e+00 : f32
    %max3A_18 = vector.broadcast %max3A : f32 to vector<2048x128xf32>
    %max3A_19 = arith.maximumf %add3A_17, %max3A_18 : vector<2048x128xf32>
    %get3A_20 = arith.constant 0 : index
    %get3A_21 = arith.constant 0 : index
    %get3A_22 = vector.load %arg6[%get3A_20, %get3A_21] : memref<128x128xf32, #tpu.memory_space<vmem>>, vector<128x128xf32>
    %dot_general3A = arith.constant dense<0.000000e+00> : vector<2048x128xf32>
    %dot_general3A_23 = tpu.matmul %max3A_19, %get3A_22, %dot_general3A {dimension_numbers = #tpu.dot_dimension_numbers<[1], [0], [0], [1], [0, 0, 1, 1], [], []>, precision = #tpu.contract_precision<fp32>, transpose_lhs_hint = false} : vector<2048x128xf32>, vector<128x128xf32>, vector<2048x128xf32> -> vector<2048x128xf32>
    %get3A_24 = arith.constant 0 : index
    %get3A_25 = arith.constant 0 : index
    %get3A_26 = vector.load %arg4[%get3A_24, %get3A_25] : memref<2048x1xf32, #tpu.memory_space<vmem>>, vector<2048x1xf32>
    %mul3A_27 = vector.broadcast %get3A_26 : vector<2048x1xf32> to vector<2048x128xf32>
    %mul3A_28 = arith.mulf %dot_general3A_23, %mul3A_27 : vector<2048x128xf32>
    %swap3A = arith.constant 0 : index
    %swap3A_29 = arith.constant 0 : index
    %swap3A_30 = vector.load %arg7[%swap3A, %swap3A_29] : memref<2048x128xf32, #tpu.memory_space<vmem>>, vector<2048x128xf32>
    tpu.vector_store %arg7[%swap3A, %swap3A_29], %mul3A_28 {strides = array<i32>} : memref<2048x128xf32, #tpu.memory_space<vmem>>, vector<2048x128xf32>,
    return
  }
  func.func @transform_0(%arg0: i32) -> (i32, i32) {
    %c0_i32 = arith.constant 0 : i32
    %c0_i32_0 = arith.constant 0 : i32
    return %arg0, %c0_i32 : i32, i32
  }
  func.func @transform_1(%arg0: i32) -> (i32, i32) {
    %c0_i32 = arith.constant 0 : i32
    %c0_i32_0 = arith.constant 0 : i32
    return %arg0, %c0_i32 : i32, i32
  }
  func.func @transform_2(%arg0: i32) -> (i32, i32) {
    %c0_i32 = arith.constant 0 : i32
    %c0_i32_0 = arith.constant 0 : i32
    return %arg0, %c0_i32 : i32, i32
  }
  func.func @transform_3(%arg0: i32) -> (i32, i32) {
    %c0_i32 = arith.constant 0 : i32
    %c0_i32_0 = arith.constant 0 : i32
    return %arg0, %c0_i32 : i32, i32
  }
  func.func @transform_4(%arg0: i32) -> (i32, i32) {
    %c0_i32 = arith.constant 0 : i32
    %c0_i32_0 = arith.constant 0 : i32
    %c0_i32_1 = arith.constant 0 : i32
    return %c0_i32, %c0_i32_0 : i32, i32
  }
  func.func @transform_5(%arg0: i32) -> (i32, i32) {
    %c0_i32 = arith.constant 0 : i32
    %c0_i32_0 = arith.constant 0 : i32
    %c0_i32_1 = arith.constant 0 : i32
    return %c0_i32, %c0_i32_0 : i32, i32
  }
  func.func @transform_6(%arg0: i32) -> (i32, i32) {
    %c0_i32 = arith.constant 0 : i32
    %c0_i32_0 = arith.constant 0 : i32
    return %arg0, %c0_i32 : i32, i32
  }
}

module attributes {stable_mosaic.version = 14 : i64} {
  func.func @_final_body(%arg0: i32, %arg1: memref<2048x128xf32, #tpu.memory_space<vmem>>, %arg2: memref<2048x128xf32, #tpu.memory_space<vmem>>, %arg3: memref<2048x128xf32, #tpu.memory_space<vmem>>, %arg4: memref<2048x1xf32, #tpu.memory_space<vmem>>, %arg5: memref<1x128xf32, #tpu.memory_space<vmem>>, %arg6: memref<2048x128xf32, #tpu.memory_space<vmem>>) attributes {dimension_semantics = [#tpu.dimension_semantics<arbitrary>], iteration_bounds = array<i64: 5>, scalar_prefetch = 0 : i64, scratch_operands = 0 : i64, tpu.core_type = #tpu.core_type<tc>, window_params = [{transform_indices = @transform_0, window_bounds = array<i64: 2048, 128>}, {transform_indices = @transform_1, window_bounds = array<i64: 2048, 128>}, {transform_indices = @transform_2, window_bounds = array<i64: 2048, 128>}, {transform_indices = @transform_3, window_bounds = array<i64: 2048, 1>}, {pipeline_mode = #tpu.pipeline_mode<synchronous>, transform_indices = @transform_4, window_bounds = array<i64: 1, 128>}, {transform_indices = @transform_5, window_bounds = array<i64: 2048, 128>}]} {
    %get3A = arith.constant 0 : index
    %get3A_0 = arith.constant 0 : index
    %get3A_1 = vector.load %arg1[%get3A, %get3A_0] : memref<2048x128xf32, #tpu.memory_space<vmem>>, vector<2048x128xf32>
    %get3A_2 = arith.constant 0 : index
    %get3A_3 = arith.constant 0 : index
    %get3A_4 = vector.load %arg2[%get3A_2, %get3A_3] : memref<2048x128xf32, #tpu.memory_space<vmem>>, vector<2048x128xf32>
    %add3A = arith.addf %get3A_1, %get3A_4 : vector<2048x128xf32>
    %get3A_5 = arith.constant 0 : index
    %get3A_6 = arith.constant 0 : index
    %get3A_7 = vector.load %arg3[%get3A_5, %get3A_6] : memref<2048x128xf32, #tpu.memory_space<vmem>>, vector<2048x128xf32>
    %add3A_8 = arith.addf %add3A, %get3A_7 : vector<2048x128xf32>
    %get3A_9 = arith.constant 0 : index
    %get3A_10 = arith.constant 0 : index
    %get3A_11 = vector.load %arg4[%get3A_9, %get3A_10] : memref<2048x1xf32, #tpu.memory_space<vmem>>, vector<2048x1xf32>
    %mul3A = vector.broadcast %get3A_11 : vector<2048x1xf32> to vector<2048x128xf32>
    %mul3A_12 = arith.mulf %add3A_8, %mul3A : vector<2048x128xf32>
    %get3A_13 = arith.constant 0 : index
    %get3A_14 = arith.constant 0 : index
    %get3A_15 = vector.load %arg5[%get3A_13, %get3A_14] : memref<1x128xf32, #tpu.memory_space<vmem>>, vector<1x128xf32>
    %add3A_16 = vector.broadcast %get3A_15 : vector<1x128xf32> to vector<2048x128xf32>
    %add3A_17 = arith.addf %mul3A_12, %add3A_16 : vector<2048x128xf32>
    %max3A = arith.constant 0.000000e+00 : f32
    %max3A_18 = vector.broadcast %max3A : f32 to vector<2048x128xf32>
    %max3A_19 = arith.maximumf %add3A_17, %max3A_18 : vector<2048x128xf32>
    %swap3A = arith.constant 0 : index
    %swap3A_20 = arith.constant 0 : index
    %swap3A_21 = vector.load %arg6[%swap3A, %swap3A_20] : memref<2048x128xf32, #tpu.memory_space<vmem>>, vector<2048x128xf32>
    tpu.vector_store %arg6[%swap3A, %swap3A_20], %max3A_19 {strides = array<i32>} : memref<2048x128xf32, #tpu.memory_space<vmem>>, vector<2048x128xf32>,
    return
  }
  func.func @transform_0(%arg0: i32) -> (i32, i32) {
    %c0_i32 = arith.constant 0 : i32
    %c0_i32_0 = arith.constant 0 : i32
    return %arg0, %c0_i32 : i32, i32
  }
  func.func @transform_1(%arg0: i32) -> (i32, i32) {
    %c0_i32 = arith.constant 0 : i32
    %c0_i32_0 = arith.constant 0 : i32
    return %arg0, %c0_i32 : i32, i32
  }
  func.func @transform_2(%arg0: i32) -> (i32, i32) {
    %c0_i32 = arith.constant 0 : i32
    %c0_i32_0 = arith.constant 0 : i32
    return %arg0, %c0_i32 : i32, i32
  }
  func.func @transform_3(%arg0: i32) -> (i32, i32) {
    %c0_i32 = arith.constant 0 : i32
    %c0_i32_0 = arith.constant 0 : i32
    return %arg0, %c0_i32 : i32, i32
  }
  func.func @transform_4(%arg0: i32) -> (i32, i32) {
    %c0_i32 = arith.constant 0 : i32
    %c0_i32_0 = arith.constant 0 : i32
    %c0_i32_1 = arith.constant 0 : i32
    return %c0_i32, %c0_i32_0 : i32, i32
  }
  func.func @transform_5(%arg0: i32) -> (i32, i32) {
    %c0_i32 = arith.constant 0 : i32
    %c0_i32_0 = arith.constant 0 : i32
    return %arg0, %c0_i32 : i32, i32
  }
}

</mosaic_0001>

<sc_bundles>
// kernel: kernel.12.cloned.1.call-start
scs
__scs_entry_jumppad:
0x0: {  	(pc) =	sbr.rel $0x88, $3  }
0x1: {  	(tag) =	ssettag $0x0;
	lr =	simm.s32 $0x1  }
0x2: {  	[smem:$0x3F9B] =	sst lr;
	_ =	strace $0xD0000000  }
0x3: {  	_ = 	snop  }
0x4: {  	_ = 	snop  }
0x5: {  	_ = 	snop  }
0x6: {  	_ = 	snop  }
0x7: {  	_ = 	snop  }
__scs_overlays_trampoline_lowered:
0x8: {  	[smem:$0x3FAA] =	sst s0  }
0x9: {  	[smem:$0x3FAB] =	sst s1  }
0xa: {  	[smem:$0x3FAC] =	sst s2  }
0xb: {  	[smem:$0x3FAD] =	sst s3  }
0xc: {  	[smem:$0x3FAE] =	sst s4  }
0xd: {  	[smem:$0x3FAF] =	sst s5  }
0xe: {  	[smem:$0x3FB0] =	sst s6  }
0xf: {  	[smem:$0x3FB1] =	sst s7  }
0x10: {  	[smem:$0x3FB2] =	sst s8  }
0x11: {  	[smem:$0x3FB3] =	sst s9;
	s0 =	simm.s32 @!p0 $0x0  }
0x12: {  	s1 =	sld [smem:$0x3F99];
	s0 =	simm.s32 @p0 $0x1  }
0x13: {  	[smem:$0x3FB4] =	sst s0;
	s0 =	simm.s32 @!p1 $0x0  }
0x14: {  	s2 =	sld [smem:$0x3F98];
	s0 =	simm.s32 @p1 $0x1  }
0x15: {  	[smem:$0x3FB5] =	sst s0;
	s0 =	simm.s32 @!p2 $0x0  }
0x16: {  	s3 =	sld [smem:$0x3FDB];
	s0 =	simm.s32 @p2 $0x1  }
0x17: {  	s4 =	simm.s32 $0x1BF5;
	[smem:$0x3FB7] =	sst s0  }
0x18: {  	s0 =	sld [smem:$0x3F9A];
	_ =	swait.ge [sflag:s4], $0x0  }
0x19: {  	s7 =	sld [smem:$0x3F9B]  }
0x1a: {  	s8 =	sadd.s32 $0xFFFFE003, lr  }
0x1b: {  	s9 =	sadd.s32 $0xFFFFFEF7, lr;
	s5 =	simm.s32 $0xFFFFFFFF;
	p2 =	slt.u32 s8, $0xFFFFF086  }
0x1c: {  	p1 =	slt.u32 s9, $0xF7A;
	s5 =	simm.s32 @!p2 $0x0  }
0x1d: {  	s5 =	simm.s32 @p1 $0x1;
	p0 =	seq.s32 s7, s2  }
0x1e: {  	s7 =	smul.u32 @!p0 $0xF7A, s2;
	p2 =	seq.s32 @!p0 s5, $0x0  }
0x1f: {  	s9 =	smul.u32 $0xF7A, s1;
	s8 =	simm.s32 @!p0 $0x1BF5;
	p2 =	por !p2, p0  }
0x20: {  	[sflag:s8] =	ssyncset.s32 @!p0 $0xFFFFF086;
	s6 =	sadd.s32 @!p0 s3, s7;
	s7 =	simm.s32 @!p0 $0x108  }
0x21: {  	s3 =	sadd.s32 s3, s9;
	s6 =	sadd.s32 @!p0 $0x88, s6;
	s7 =	simm.s32 @p2 $0x1082  }
0x22: {  	[simem:s7], [sflag:s8] =	dma.local @!p0 [hbm:s6], $0xF7A  }
0x23: {  	s9 =	sor.u32 $0xD0000000, s2;
	s6 =	simm.s32 $0x108;
	_ =	swait.ge @!p0 [sflag:s8], $0x0  }
0x24: {  	s3 =	sadd.s32 $0x88, s3;
	s6 =	simm.s32 @!p1 $0x1082;
	[sflag:s4] =	ssyncset.s32 $0xFFFFF086  }
0x25: {  	[simem:s6], [sflag:s4] =	dma.local [hbm:s3], $0xF7A  }
0x26: {  	[smem:$0x3F9B] =	sst s1;
	(tag) =	ssettag s2;
	_ =	strace s9  }
0x27: {  	s1 =	sld [smem:$0x3FAB]  }
0x28: {  	s2 =	sld [smem:$0x3FAC]  }
0x29: {  	s4 =	sld [smem:$0x3FAE]  }
0x2a: {  	p0 =	seq.s32 s5, $0x0;
	s5 =	sld [smem:$0x3FAF]  }
0x2b: {  	s6 =	sld [smem:$0x3FB0]  }
0x2c: {  	s7 =	sld [smem:$0x3FB1]  }
0x2d: {  	s3 =	simm.s32 $0x108;
	s8 =	sld [smem:$0x3FB2]  }
0x2e: {  	s3 =	simm.s32 @!p0 $0x1082;
	s9 =	sld [smem:$0x3FB3]  }
0x2f: {  	lr =	sadd.s32 s0, s3;
	s0 =	sld [smem:$0x3FAA]  }
0x30: {  	s3 =	sld [smem:$0x3FAD]  }
0x31: {  	[smem:$0x3FB6] =	sst s10  }
0x32: {  	s10 =	sld [smem:$0x3FB4];
	_ =	sdelay $0x3  }
0x33: {  	p0 =	seq.s32 s10, $0x1;
	s10 =	sld [smem:$0x3FB6];
	_ =	sdelay $0x3  }
0x34: {  	[smem:$0x3FB6] =	sst s10  }
0x35: {  	s10 =	sld [smem:$0x3FB5];
	_ =	sdelay $0x3  }
0x36: {  	p1 =	seq.s32 s10, $0x1;
	s10 =	sld [smem:$0x3FB6];
	_ =	sdelay $0x3  }
0x37: {  	[smem:$0x3FB6] =	sst s10  }
0x38: {  	s10 =	sld [smem:$0x3FB7]  }
0x39: {  	_ = 	snop;
	(pc) =	sbr.ind lr, $3  }
0x3a: {  	_ = 	snop  }
0x3b: {  	_ = 	snop  }
0x3c: {  	p2 =	seq.s32 s10, $0x1;
	s10 =	sld [smem:$0x3FB6]  }
0x3d: {  	_ =	shalt  }
0x3e: {  	_ =	shalt  }
0x3f: {  	_ =	shalt  }
0x40: {  	_ =	shalt  }
0x41: {  	_ =	shalt  }
0x42: {  	_ =	shalt  }
0x43: {  	_ =	shalt  }
0x44: {  	_ =	shalt  }
0x45: {  	_ =	shalt  }
0x46: {  	_ =	shalt  }
0x47: {  	_ =	shalt  }
0x48: {  	_ =	shalt  }
0x49: {  	_ =	shalt  }
0x4a: {  	_ =	shalt  }
0x4b: {  	_ =	shalt  }
0x4c: {  	_ =	shalt  }
0x4d: {  	_ =	shalt  }
0x4e: {  	_ =	shalt  }
0x4f: {  	_ =	shalt  }
0x50: {  	_ =	shalt  }
0x51: {  	_ =	shalt  }
0x52: {  	_ =	shalt  }
0x53: {  	_ =	shalt  }
0x54: {  	_ =	shalt  }
0x55: {  	_ =	shalt  }
0x56: {  	_ =	shalt  }
0x57: {  	_ =	shalt  }
0x58: {  	_ =	shalt  }
0x59: {  	_ =	shalt  }
0x5a: {  	_ =	shalt  }
0x5b: {  	_ =	shalt  }
0x5c: {  	_ =	shalt  }
0x5d: {  	_ =	shalt  }
0x5e: {  	_ =	shalt  }
0x5f: {  	_ =	shalt  }
0x60: {  	_ =	shalt  }
0x61: {  	_ =	shalt  }
0x62: {  	_ =	shalt  }
0x63: {  	_ =	shalt  }
0x64: {  	_ =	shalt  }
0x65: {  	_ =	shalt  }
0x66: {  	_ =	shalt  }
0x67: {  	_ =	shalt  }
0x68: {  	_ =	shalt  }
0x69: {  	_ =	shalt  }
0x6a: {  	_ =	shalt  }
0x6b: {  	_ =	shalt  }
0x6c: {  	_ =	shalt  }
0x6d: {  	_ =	shalt  }
0x6e: {  	_ =	shalt  }
0x6f: {  	_ =	shalt  }
0x70: {  	_ =	shalt  }
0x71: {  	_ =	shalt  }
0x72: {  	_ =	shalt  }
0x73: {  	_ =	shalt  }
0x74: {  	_ =	shalt  }
0x75: {  	_ =	shalt  }
0x76: {  	_ =	shalt  }
0x77: {  	_ =	shalt  }
0x78: {  	_ =	shalt  }
0x79: {  	_ =	shalt  }
0x7a: {  	_ =	shalt  }
0x7b: {  	_ =	shalt  }
0x7c: {  	_ =	shalt  }
0x7d: {  	_ =	shalt  }
0x7e: {  	_ =	shalt  }
0x7f: {  	_ =	shalt  }
0x80: {  	_ =	shalt  }
0x81: {  	_ =	shalt  }
0x82: {  	_ =	shalt  }
0x83: {  	_ =	shalt  }
0x84: {  	_ =	shalt  }
0x85: {  	_ =	shalt  }
0x86: {  	_ =	shalt  }
0x87: {  	_ =	shalt  }
.Lfunc_end0:
.L_simem_size_0:
called_computation.1_lowered:
.L_overlay_start_0:
0x88: {  	s2 =	sld [smem:$0x3FD9]  }
0x89: {  	s3 =	sld [smem:$0x3FFE];
	_ =	sdelay $0x1  }
0x8a: {  	s1 =	srdreg.scid  }
0x8b: {  	s0 =	sand.u32 $0x1, s1  }
0x8c: {  	s17 =	sshll.u32 s0, $0xA;
	s2 =	sadd.s32 s3, s2  }
0x8d: {  	s2 =	sadd.s32 s2, s17  }
0x8e: {  	[smem:$0x3FC2] =	sst s2  }
0x8f: {  	_ = 	snop  }
0x90: {  	s2 =	sld [smem:$0x3FD0];
	(tm) =	ssettm $0x1  }
0x91: {  	s18 =	sld [smem:$0x3FFB];
	_ =	sdelay $0x3  }
0x92: {  	_ =	strace s18  }
0x93: {  	s3 =	sld [smem:$0x3FFC];
	_ =	sdelay $0x3  }
0x94: {  	_ =	strace s3  }
0x95: {  	s3 =	sld [smem:$0x3FFD];
	_ =	sdelay $0x3  }
0x96: {  	_ =	strace s3  }
0x97: {  	_ =	strace $0x8FFFFFFF  }
0x98: {  	s19 =	sld [smem:$0x3FDB];
	_ =	sdelay $0x1  }
0x99: {  	s4 =	simm.s32 $_scs_section_size  }
0x9a: {  	s5 =	simm.s32 $_size__tile_overlayer_lowered;
	s6 =	simm.s32 $_tile_overlayer_lowered  }
0x9b: {  	s22 =	simm.s32 $0x1BFF;
	s21 =	sshll.u32 s6, $0x1;
	s3 =	sadd.s32 s4, s19  }
0x9c: {  	s7 =	simm.s32 $0x0;
	s20 =	sshll.u32 s5, $0x1;
	s5 =	sadd.s32 s21, s3  }
0x9d: {  	[timem:s7], [sflag:s22] =	dma.local [hbm:s5], s20  }
0x9e: {  	_ =	swait.ge [sflag:s22], s20  }
0x9f: {  	s4 =	ssub.s32 $0x0, s20;
	[sflag:s22] =	ssyncset.done $0x0  }
0xa0: {  	[sflag:s22] =	ssyncadd.s32 s4;
	_ =	sdelay $0x1  }
0xa1: {  	s23 =	simm.s32 $0x1B8B  }
0xa2: {  	_ =	swait.ge [sflag:s23], $0x1  }
0xa3: {  	[sflag:s23] =	ssyncset.done $0x0  }
0xa4: {  	s25 =	simm.s32 $0x1B8E;
	s24 =	sld [smem:$0x3FFE];
	[sflag:s23] =	ssyncadd.s32 $0xFFFFFFFF  }
0xa5: {  	s26 =	simm.s32 $execute0_lowered;
	[smem:$0x3FD2] =	sst s25  }
0xa6: {  	s5 =	sshll.u32 s26, $0x1;
	_ =	strace $0x80000049;
	[dreg:$0x1] =	wrdreg $0xFFFFFFFF  }
0xa7: {  	s28 =	simm.s32 $_size_execute0_lowered;
	s3 =	sadd.s32 s3, s5;
	[dreg:$0x0] =	wrdreg $0x0  }
0xa8: {  	s5 =	sshll.u32 s28, $0x1;
	[dreg:$0x2] =	wrdreg s3  }
0xa9: {  	[dreg:$0x3] =	wrdreg s5  }
0xaa: {  	[dreg:$0x4] =	wrdreg $0xC0  }
0xab: {  	_ =	task [dreg:s7], $0x5FFFF  }
0xac: {  	[dreg:$0x1] =	wrdreg $0xFFFFFFFF  }
0xad: {  	[dreg:$0x0] =	wrdreg $0x60  }
0xae: {  	[dreg:$0x2] =	wrdreg s24  }
0xaf: {  	[dreg:$0x3] =	wrdreg s2  }
0xb0: {  	[dreg:$0x4] =	wrdreg $0x90000  }
0xb1: {  	[dreg:$0x5] =	wrdreg $0x9  }
0xb2: {  	_ =	task.clear_ibuf [dreg:s7], $0x6FFFF;
	_ =	strace $0x90000049  }
0xb3: {  	s29 =	simm.s32 $0x9;
	_ =	strace $0x8000004B  }
0xb4: {  	_ =	swait.ge [sflag:s29], $0x1  }
0xb5: {  	[sflag:s29] =	ssyncadd.s32 $0xFFFFFFFF  }
0xb6: {  	_ =	strace $0x9000004B  }
0xb7: {  	_ =	sfence  }
0xb8: {  	s30 =	sld [smem:$0x0];
	_ =	sdelay $0x2  }
0xb9: {  	s31 =	sshll.u32 s1, $0xD;
	s1 =	sshrl.u32 s1, $0x2  }
0xba: {  	s3 =	sand.u32 $0x4000, s31;
	s1 =	sadd.s32 s1, s30  }
0xbb: {  	s0 =	sor.u32 s3, s0;
	s1 =	sshll.u32 s1, $0x11  }
0xbc: {  	s0 =	sor.u32 s1, s0  }
0xbd: {  	s0 =	sadd.s32 $0x8F2B, s0  }
0xbe: {  	[sflag:s0] =	ssyncadd.remote.s32 $0x1  }
0xbf: {  	_ =	sfence.sel $0xFFFF  }
0xc0: {  	[dreg:$0x0] =	wrdreg $0xFFFFFFFF;
	(pc) =	sbr.abs _section_cstart, $3  }
0xc1: {  	[dreg:$0x1] =	wrdreg $0xFFFFFFFF  }
0xc2: {  	_ =	task.clear_ibuf [dreg:s7], $0x2FFFF;
	_ =	strace $0x9FFFFFFF  }
0xc3: {  	(tm) =	ssettm $0x7FFFFFFF  }
tec
execute0_lowered:
.L_overlay_start_1:
0x0: {  	(tag) =	ssettag $0x1  }
0x1: {  	s5 =	rddreg [dreg:$0x0]  }
0x2: {  	s6 =	rddreg [dreg:$0x1]  }
0x3: {  	s2 =	rddreg [dreg:$0x2]  }
0x4: {  	s0 =	srdreg.scid;
	s1 =	rddreg [dreg:$0x3]  }
0x5: {  	s3 =	simm.s32 $0x0;
	s14 =	simm.s32 $0x2;
	s7 =	sand.u32 $0x1, s0  }
0x6: {  	s15 =	simm.s32 $0x2800;
	s0 =	stileid.u32;
	s4 =	smul.u32 $0x28000, s7  }
0x7: {  	s16 =	simm.s32 $0x5000;
	s17 =	simm.s32 $0x80;
	s8 =	smul.u32 $0x2800, s0  }
0x8: {  	s18 =	simm.s32 $0x1;
	[smem:$0x7FF] =	sst s3;
	s9 =	smul.u32 $0x140000, s7  }
0x9: {  	s21 =	simm.s32 $0x0;
	s10 =	smul.u32 $0x14000, s0;
	_ =	strace $0x8000004A  }
0xa: {  	s7 =	ssub.s32 $0x2, s7;
	s30 =	smul.u32 $0x50000, s0;
	s19 =	sshll.u32 s0, $0x6  }
0xb: {  	s12 =	sshrl.u32 s7, $0x1;
	s19 =	sor.u32 $0x1C02, s19;
	s8 =	sadd.s32 s8, s4  }
0xc: {  	s4 =	sadd.s32 $0x3600, s5;
	s9 =	sadd.s32 s10, s9;
	s12 =	ssub.s32 s7, s12  }
0xd: {  	s31 =	sshrl.u32 s30, $0x2;
	s8 =	sshrl.u32 s8, $0x3;
	s9 =	sshrl.u32 s9, $0x3  }
0xe: {  	s7 =	sadd.s32 s31, s2;
	s11 =	sadd.s32 s8, s5;
	s9 =	sadd.s32 s9, s5  }
0xf: {  	s6 =	sadd.s32 s6, s8;
	s10 =	sadd.s32 $0x4000, s7;
	s13 =	sadd.s32 $0x10000, s7  }
0x10: {  	s20 =	sshrl.u32 s7, $0x3;
	s5 =	sadd.s32 $0x53600, s11;
	s8 =	sadd.s32 $0x5D600, s9  }
0x11: {  	v0 =	vimm.f32 $0.0e+00;
	s9 =	smax.u32 s12, $0x1;
	s11 =	sadd.s32 $0x8000, s7;
	s12 =	sadd.s32 $0xC000, s7  }
.LBB2_1:
0x12: {  	[tilespmem:s3], [sflag:$0x2] =	stream.linear.gather [hbm4b:s5+s3], $0x2780, $0x38;
	[tilespmem:$0x1D000] =	vst v63  }
0x13: {  	_ =	swait.ge [sflag:s14], $0x2780  }
0x14: {  	[sflag:s14] =	ssyncset.done $0x0  }
0x15: {  	[sflag:s14] =	ssyncadd.s32 $0xFFFFD880  }
0x16: {  	[tilespmem:s15], [sflag:$0x2] =	stream.linear.gather [hbm4b:s6+s3], $0x2780, $0x38;
	[tilespmem:$0x1D000] =	vst v63  }
0x17: {  	_ =	swait.ge [sflag:s14], $0x2780  }
0x18: {  	[sflag:s14] =	ssyncset.done $0x0  }
0x19: {  	s22 =	simm.s32 $0x0;
	s23 =	simm.s32 $0x200;
	[sflag:s14] =	ssyncadd.s32 $0xFFFFD880  }
.LBB2_2:
0x1a: {  	p0 =	sne.s32 s23, $0xFE00;
	[tilespmem:s22+$0x5070] =	vst v0  }
0x1b: {  	[tilespmem:s22+$0x5000] =	vst v0  }
0x1c: {  	[tilespmem:s22+$0x5010] =	vst v0  }
.Ltmp0:
0x1d: {  	[tilespmem:s22+$0x5020] =	vst v0;
	(pc) =	sbr.rel @p0 .LBB2_2-.Ltmp0, $4  }
0x1e: {  	[tilespmem:s22+$0x5030] =	vst v0  }
0x1f: {  	[tilespmem:s22+$0x5040] =	vst v0  }
0x20: {  	[tilespmem:s22+$0x5050] =	vst v0  }
0x21: {  	[tilespmem:s22+$0x5060] =	vst v0;
	s22 =	sshra.s32 s23, $0x2;
	s23 =	sadd.s32 $0x200, s23  }
0x22: {  	[tilespmem:s22+$0x5070] =	vst v0  }
0x23: {  	[tilespmem:s22+$0x5000] =	vst v0  }
0x24: {  	[tilespmem:s22+$0x5010] =	vst v0  }
0x25: {  	[tilespmem:s22+$0x5020] =	vst v0  }
0x26: {  	[tilespmem:s22+$0x5030] =	vst v0  }
0x27: {  	[tilespmem:s22+$0x5040] =	vst v0  }
0x28: {  	[tilespmem:s22+$0x5050] =	vst v0  }
0x29: {  	[tilespmem:s22+$0x5060] =	vst v0  }
0x2a: {  	[spmem:s7] =	stream.linear.scatter [tilespmem:s16], [sflag:$0x2], $0x4000, $0x38;
	[tilespmem:$0x1D000] =	vst v63  }
0x2b: {  	_ =	swait.ge [sflag:s14], $0x4000  }
0x2c: {  	[sflag:s14] =	ssyncset.done $0x0  }
0x2d: {  	[sflag:s14] =	ssyncadd.s32 $0xFFFFC000  }
0x2e: {  	[spmem:s10] =	stream.linear.scatter [tilespmem:s16], [sflag:$0x2], $0x4000, $0x38;
	[tilespmem:$0x1D000] =	vst v63  }
0x2f: {  	_ =	swait.ge [sflag:s14], $0x4000  }
0x30: {  	[sflag:s14] =	ssyncset.done $0x0  }
0x31: {  	[sflag:s14] =	ssyncadd.s32 $0xFFFFC000  }
0x32: {  	[spmem:s11] =	stream.linear.scatter [tilespmem:s16], [sflag:$0x2], $0x4000, $0x38;
	[tilespmem:$0x1D000] =	vst v63  }
0x33: {  	_ =	swait.ge [sflag:s14], $0x4000  }
0x34: {  	[sflag:s14] =	ssyncset.done $0x0  }
0x35: {  	[sflag:s14] =	ssyncadd.s32 $0xFFFFC000  }
0x36: {  	[spmem:s12] =	stream.linear.scatter [tilespmem:s16], [sflag:$0x2], $0x4000, $0x38;
	[tilespmem:$0x1D000] =	vst v63  }
0x37: {  	_ =	swait.ge [sflag:s14], $0x4000  }
0x38: {  	[sflag:s14] =	ssyncset.done $0x0  }
0x39: {  	[sflag:s14] =	ssyncadd.s32 $0xFFFFC000  }
0x3a: {  	[spmem:s13] =	stream.linear.scatter [tilespmem:s16], [sflag:$0x2], $0x4000, $0x38;
	[tilespmem:$0x1D000] =	vst v63  }
0x3b: {  	_ =	swait.ge [sflag:s14], $0x4000  }
0x3c: {  	[sflag:s14] =	ssyncset.done $0x0  }
0x3d: {  	[sflag:s14] =	ssyncadd.s32 $0xFFFFC000  }
0x3e: {  	s30 =	simm.s32 $0x0;
	[bflag:$0x0] =	sbarrier.arrive $0xFFFF  }
0x3f: {  	[tilespmem:s16], [sflag:$0x1] =	stream.indirect.gather [hbm4b:s4+s17], $0x80, s30, s17, $0xb8;
	[tilespmem:$0x1D000] =	vst v63  }
0x40: {  	_ =	swait.ge [sflag:s18], $0x4000  }
0x41: {  	[sflag:s18] =	ssyncset.done $0x0  }
0x42: {  	s31 =	simm.s32 $0x2800;
	[sflag:s18] =	ssyncadd.s32 $0xFFFFC000  }
0x43: {  	[spmem:s2] =	stream.indirect.scatter.add.f32 [tilespmem:s16], [sflag:$0x2], $0x80, s31, s17, $0xb8;
	[tilespmem:$0x1D000] =	vst v63  }
0x44: {  	_ =	swait.ge [sflag:s14], $0x4000  }
0x45: {  	s22 =	simm.s32 $0x200;
	s23 =	simm.s32 $0x400;
	[sflag:s14] =	ssyncset.done $0x0  }
.LBB2_4:
0x46: {  	s24 =	sshra.s32 s22, $0x2  }
0x47: {  	[sflag:s14] =	ssyncadd.s32 $0xFFFFC000;
	s22 =	smov.u32 s23;
	s25 =	sadd.s32 $0x200, s23  }
0x48: {  	[tilespmem:s16], [sflag:$0x1] =	stream.indirect.gather [hbm4b:s4+s17], $0x80, s24, s17, $0xb8;
	[tilespmem:$0x1D000] =	vst v63  }
0x49: {  	p0 =	sne.s32 s23, $0x9C00;
	_ =	swait.ge [sflag:s18], $0x4000  }
.Ltmp1:
0x4a: {  	[sflag:s18] =	ssyncset.done $0x0;
	(pc) =	sbr.rel @p0 .LBB2_4-.Ltmp1, $4  }
0x4b: {  	s23 =	sadd.s32 $0x2800, s24;
	[sflag:s18] =	ssyncadd.s32 $0xFFFFC000  }
0x4c: {  	[spmem:s2] =	stream.indirect.scatter.add.f32 [tilespmem:s16], [sflag:$0x2], $0x80, s23, s17, $0xb8;
	[tilespmem:$0x1D000] =	vst v63  }
0x4d: {  	_ =	swait.ge [sflag:s14], $0x4000  }
0x4e: {  	s23 =	smov.u32 s25;
	[sflag:s14] =	ssyncset.done $0x0  }
0x4f: {  	s22 =	sshra.s32 s22, $0x2;
	[sflag:s14] =	ssyncadd.s32 $0xFFFFC000  }
0x50: {  	[tilespmem:s16], [sflag:$0x1] =	stream.indirect.gather [hbm4b:s4+s17], $0x80, s22, s17, $0xb8;
	[tilespmem:$0x1D000] =	vst v63  }
0x51: {  	_ =	swait.ge [sflag:s18], $0x4000  }
0x52: {  	[sflag:s18] =	ssyncset.done $0x0  }
0x53: {  	s22 =	sadd.s32 $0x2800, s22;
	[sflag:s18] =	ssyncadd.s32 $0xFFFFC000  }
0x54: {  	[spmem:s2] =	stream.indirect.scatter.add.f32 [tilespmem:s16], [sflag:$0x2], $0x80, s22, s17, $0xb8;
	[tilespmem:$0x1D000] =	vst v63  }
0x55: {  	_ =	swait.ge [sflag:s14], $0x4000  }
0x56: {  	s21 =	sadd.s32 $0x1, s21;
	[sflag:s14] =	ssyncset.done $0x0  }
0x57: {  	p0 =	sne.s32 s21, s9;
	[sflag:s14] =	ssyncadd.s32 $0xFFFFC000  }
.Ltmp2:
0x58: {  	[bflag:$0x0] =	sbarrier.arrive $0xFFFF;
	(pc) =	sbr.rel @p0 .LBB2_1-.Ltmp2, $4  }
0x59: {  	[hbm:s8], [sflag:s19] =	dma.local [spmem:s20], $0x2800  }
0x5a: {  	_ =	swait.ge [sflag:s14], $0x2800  }
0x5b: {  	[sflag:s14] =	ssyncset.done $0x0  }
0x5c: {  	[sflag:s14] =	ssyncadd.s32 $0xFFFFD800  }
0x5d: {  	_ =	sfence.sel $0x180000  }
0x5e: {  	[bflag:$0x0] =	sbarrier.arrive $0xFFFF  }
0x5f: {  	p0 =	sne.s32 s0, $0x0;
	_ =	strace $0x9000004A  }
0x60: {  	s0 =	sadd.s32 @!p0 $0x100000, s1;
	[bflag:$0x2] =	sbarrier.arrive $0xFFFF  }
0x61: {  	[sflag:s0] =	ssyncadd.tile.s32 @!p0 $0x1;
	_ =	shalt  }
.Lfunc_end2:
_tile_overlayer_lowered:
.L_overlay_start_2:
0x62: {  	(tag) =	ssettag $0x2  }
0x63: {  	s0 =	rddreg [dreg:$0x0];
	s2 =	stileid.u32  }
0x64: {  	s1 =	rddreg [dreg:$0x1];
	p0 =	sne.s32 s2, $0x0  }
0x65: {  	s3 =	rddreg [dreg:$0x2];
	[bflag:$0x3] =	sbarrier.arrive $0xFFFF;
	s2 =	simm.s32 @!p0 $0x1C02  }
0x66: {  	[timem:s3], [sflag:s2] =	dma.local @!p0 [hbm:s0], s1  }
0x67: {  	s0 =	simm.s32 @!p0 $0x2  }
0x68: {  	_ =	swait.ge @!p0 [sflag:s0], s1  }
0x69: {  	s1 =	ssub.s32 @!p0 $0x0, s1;
	[sflag:s0] =	ssyncset.done @!p0 $0x0  }
0x6a: {  	[sflag:s0] =	ssyncadd.s32 @!p0 s1  }
0x6b: {  	[bflag:$0x3] =	sbarrier.arrive $0xFFFF  }
0x6c: {  	_ =	shalt  }

// kernel: kernel.15.cloned.1.call-start
scs
__scs_entry_jumppad:
0x0: {  	(pc) =	sbr.rel $0x88, $3  }
0x1: {  	(tag) =	ssettag $0x0;
	lr =	simm.s32 $0x1  }
0x2: {  	[smem:$0x3F9B] =	sst lr;
	_ =	strace $0xD0000000  }
0x3: {  	_ = 	snop  }
0x4: {  	_ = 	snop  }
0x5: {  	_ = 	snop  }
0x6: {  	_ = 	snop  }
0x7: {  	_ = 	snop  }
__scs_overlays_trampoline_lowered:
0x8: {  	[smem:$0x3FAA] =	sst s0  }
0x9: {  	[smem:$0x3FAB] =	sst s1  }
0xa: {  	[smem:$0x3FAC] =	sst s2  }
0xb: {  	[smem:$0x3FAD] =	sst s3  }
0xc: {  	[smem:$0x3FAE] =	sst s4  }
0xd: {  	[smem:$0x3FAF] =	sst s5  }
0xe: {  	[smem:$0x3FB0] =	sst s6  }
0xf: {  	[smem:$0x3FB1] =	sst s7  }
0x10: {  	[smem:$0x3FB2] =	sst s8  }
0x11: {  	[smem:$0x3FB3] =	sst s9;
	s0 =	simm.s32 @!p0 $0x0  }
0x12: {  	s1 =	sld [smem:$0x3F99];
	s0 =	simm.s32 @p0 $0x1  }
0x13: {  	[smem:$0x3FB4] =	sst s0;
	s0 =	simm.s32 @!p1 $0x0  }
0x14: {  	s2 =	sld [smem:$0x3F98];
	s0 =	simm.s32 @p1 $0x1  }
0x15: {  	[smem:$0x3FB5] =	sst s0;
	s0 =	simm.s32 @!p2 $0x0  }
0x16: {  	s3 =	sld [smem:$0x3FDB];
	s0 =	simm.s32 @p2 $0x1  }
0x17: {  	s4 =	simm.s32 $0x1BF5;
	[smem:$0x3FB7] =	sst s0  }
0x18: {  	s0 =	sld [smem:$0x3F9A];
	_ =	swait.ge [sflag:s4], $0x0  }
0x19: {  	s7 =	sld [smem:$0x3F9B]  }
0x1a: {  	s8 =	sadd.s32 $0xFFFFE003, lr  }
0x1b: {  	s9 =	sadd.s32 $0xFFFFFEF7, lr;
	s5 =	simm.s32 $0xFFFFFFFF;
	p2 =	slt.u32 s8, $0xFFFFF086  }
0x1c: {  	p1 =	slt.u32 s9, $0xF7A;
	s5 =	simm.s32 @!p2 $0x0  }
0x1d: {  	s5 =	simm.s32 @p1 $0x1;
	p0 =	seq.s32 s7, s2  }
0x1e: {  	s7 =	smul.u32 @!p0 $0xF7A, s2;
	p2 =	seq.s32 @!p0 s5, $0x0  }
0x1f: {  	s9 =	smul.u32 $0xF7A, s1;
	s8 =	simm.s32 @!p0 $0x1BF5;
	p2 =	por !p2, p0  }
0x20: {  	[sflag:s8] =	ssyncset.s32 @!p0 $0xFFFFF086;
	s6 =	sadd.s32 @!p0 s3, s7;
	s7 =	simm.s32 @!p0 $0x108  }
0x21: {  	s3 =	sadd.s32 s3, s9;
	s6 =	sadd.s32 @!p0 $0x88, s6;
	s7 =	simm.s32 @p2 $0x1082  }
0x22: {  	[simem:s7], [sflag:s8] =	dma.local @!p0 [hbm:s6], $0xF7A  }
0x23: {  	s9 =	sor.u32 $0xD0000000, s2;
	s6 =	simm.s32 $0x108;
	_ =	swait.ge @!p0 [sflag:s8], $0x0  }
0x24: {  	s3 =	sadd.s32 $0x88, s3;
	s6 =	simm.s32 @!p1 $0x1082;
	[sflag:s4] =	ssyncset.s32 $0xFFFFF086  }
0x25: {  	[simem:s6], [sflag:s4] =	dma.local [hbm:s3], $0xF7A  }
0x26: {  	[smem:$0x3F9B] =	sst s1;
	(tag) =	ssettag s2;
	_ =	strace s9  }
0x27: {  	s1 =	sld [smem:$0x3FAB]  }
0x28: {  	s2 =	sld [smem:$0x3FAC]  }
0x29: {  	s4 =	sld [smem:$0x3FAE]  }
0x2a: {  	p0 =	seq.s32 s5, $0x0;
	s5 =	sld [smem:$0x3FAF]  }
0x2b: {  	s6 =	sld [smem:$0x3FB0]  }
0x2c: {  	s7 =	sld [smem:$0x3FB1]  }
0x2d: {  	s3 =	simm.s32 $0x108;
	s8 =	sld [smem:$0x3FB2]  }
0x2e: {  	s3 =	simm.s32 @!p0 $0x1082;
	s9 =	sld [smem:$0x3FB3]  }
0x2f: {  	lr =	sadd.s32 s0, s3;
	s0 =	sld [smem:$0x3FAA]  }
0x30: {  	s3 =	sld [smem:$0x3FAD]  }
0x31: {  	[smem:$0x3FB6] =	sst s10  }
0x32: {  	s10 =	sld [smem:$0x3FB4];
	_ =	sdelay $0x3  }
0x33: {  	p0 =	seq.s32 s10, $0x1;
	s10 =	sld [smem:$0x3FB6];
	_ =	sdelay $0x3  }
0x34: {  	[smem:$0x3FB6] =	sst s10  }
0x35: {  	s10 =	sld [smem:$0x3FB5];
	_ =	sdelay $0x3  }
0x36: {  	p1 =	seq.s32 s10, $0x1;
	s10 =	sld [smem:$0x3FB6];
	_ =	sdelay $0x3  }
0x37: {  	[smem:$0x3FB6] =	sst s10  }
0x38: {  	s10 =	sld [smem:$0x3FB7]  }
0x39: {  	_ = 	snop;
	(pc) =	sbr.ind lr, $3  }
0x3a: {  	_ = 	snop  }
0x3b: {  	_ = 	snop  }
0x3c: {  	p2 =	seq.s32 s10, $0x1;
	s10 =	sld [smem:$0x3FB6]  }
0x3d: {  	_ =	shalt  }
0x3e: {  	_ =	shalt  }
0x3f: {  	_ =	shalt  }
0x40: {  	_ =	shalt  }
0x41: {  	_ =	shalt  }
0x42: {  	_ =	shalt  }
0x43: {  	_ =	shalt  }
0x44: {  	_ =	shalt  }
0x45: {  	_ =	shalt  }
0x46: {  	_ =	shalt  }
0x47: {  	_ =	shalt  }
0x48: {  	_ =	shalt  }
0x49: {  	_ =	shalt  }
0x4a: {  	_ =	shalt  }
0x4b: {  	_ =	shalt  }
0x4c: {  	_ =	shalt  }
0x4d: {  	_ =	shalt  }
0x4e: {  	_ =	shalt  }
0x4f: {  	_ =	shalt  }
0x50: {  	_ =	shalt  }
0x51: {  	_ =	shalt  }
0x52: {  	_ =	shalt  }
0x53: {  	_ =	shalt  }
0x54: {  	_ =	shalt  }
0x55: {  	_ =	shalt  }
0x56: {  	_ =	shalt  }
0x57: {  	_ =	shalt  }
0x58: {  	_ =	shalt  }
0x59: {  	_ =	shalt  }
0x5a: {  	_ =	shalt  }
0x5b: {  	_ =	shalt  }
0x5c: {  	_ =	shalt  }
0x5d: {  	_ =	shalt  }
0x5e: {  	_ =	shalt  }
0x5f: {  	_ =	shalt  }
0x60: {  	_ =	shalt  }
0x61: {  	_ =	shalt  }
0x62: {  	_ =	shalt  }
0x63: {  	_ =	shalt  }
0x64: {  	_ =	shalt  }
0x65: {  	_ =	shalt  }
0x66: {  	_ =	shalt  }
0x67: {  	_ =	shalt  }
0x68: {  	_ =	shalt  }
0x69: {  	_ =	shalt  }
0x6a: {  	_ =	shalt  }
0x6b: {  	_ =	shalt  }
0x6c: {  	_ =	shalt  }
0x6d: {  	_ =	shalt  }
0x6e: {  	_ =	shalt  }
0x6f: {  	_ =	shalt  }
0x70: {  	_ =	shalt  }
0x71: {  	_ =	shalt  }
0x72: {  	_ =	shalt  }
0x73: {  	_ =	shalt  }
0x74: {  	_ =	shalt  }
0x75: {  	_ =	shalt  }
0x76: {  	_ =	shalt  }
0x77: {  	_ =	shalt  }
0x78: {  	_ =	shalt  }
0x79: {  	_ =	shalt  }
0x7a: {  	_ =	shalt  }
0x7b: {  	_ =	shalt  }
0x7c: {  	_ =	shalt  }
0x7d: {  	_ =	shalt  }
0x7e: {  	_ =	shalt  }
0x7f: {  	_ =	shalt  }
0x80: {  	_ =	shalt  }
0x81: {  	_ =	shalt  }
0x82: {  	_ =	shalt  }
0x83: {  	_ =	shalt  }
0x84: {  	_ =	shalt  }
0x85: {  	_ =	shalt  }
0x86: {  	_ =	shalt  }
0x87: {  	_ =	shalt  }
.Lfunc_end0:
.L_simem_size_0:
called_computation.2_lowered:
.L_overlay_start_0:
0x88: {  	s2 =	sld [smem:$0x3FD9]  }
0x89: {  	s3 =	sld [smem:$0x3FFE];
	_ =	sdelay $0x1  }
0x8a: {  	s1 =	srdreg.scid  }
0x8b: {  	s0 =	sand.u32 $0x1, s1  }
0x8c: {  	s17 =	sshll.u32 s0, $0xA;
	s2 =	sadd.s32 s3, s2  }
0x8d: {  	s2 =	sadd.s32 s2, s17  }
0x8e: {  	[smem:$0x3FC2] =	sst s2  }
0x8f: {  	_ = 	snop  }
0x90: {  	s2 =	sld [smem:$0x3FD0];
	(tm) =	ssettm $0x1  }
0x91: {  	s18 =	sld [smem:$0x3FFB];
	_ =	sdelay $0x3  }
0x92: {  	_ =	strace s18  }
0x93: {  	s3 =	sld [smem:$0x3FFC];
	_ =	sdelay $0x3  }
0x94: {  	_ =	strace s3  }
0x95: {  	s3 =	sld [smem:$0x3FFD];
	_ =	sdelay $0x3  }
0x96: {  	_ =	strace s3  }
0x97: {  	_ =	strace $0x8FFFFFFF  }
0x98: {  	s19 =	sld [smem:$0x3FDB];
	_ =	sdelay $0x1  }
0x99: {  	s4 =	simm.s32 $_scs_section_size  }
0x9a: {  	s5 =	simm.s32 $_size__tile_overlayer_lowered;
	s6 =	simm.s32 $_tile_overlayer_lowered  }
0x9b: {  	s22 =	simm.s32 $0x1BFF;
	s21 =	sshll.u32 s6, $0x1;
	s3 =	sadd.s32 s4, s19  }
0x9c: {  	s7 =	simm.s32 $0x0;
	s20 =	sshll.u32 s5, $0x1;
	s5 =	sadd.s32 s21, s3  }
0x9d: {  	[timem:s7], [sflag:s22] =	dma.local [hbm:s5], s20  }
0x9e: {  	_ =	swait.ge [sflag:s22], s20  }
0x9f: {  	s4 =	ssub.s32 $0x0, s20;
	[sflag:s22] =	ssyncset.done $0x0  }
0xa0: {  	[sflag:s22] =	ssyncadd.s32 s4;
	_ =	sdelay $0x1  }
0xa1: {  	s23 =	simm.s32 $0x1B8B  }
0xa2: {  	_ =	swait.ge [sflag:s23], $0x1  }
0xa3: {  	[sflag:s23] =	ssyncset.done $0x0  }
0xa4: {  	s25 =	simm.s32 $0x1B8E;
	s24 =	sld [smem:$0x3FFE];
	[sflag:s23] =	ssyncadd.s32 $0xFFFFFFFF  }
0xa5: {  	s26 =	simm.s32 $execute0_lowered;
	[smem:$0x3FD2] =	sst s25  }
0xa6: {  	s5 =	sshll.u32 s26, $0x1;
	_ =	strace $0x8000004C;
	[dreg:$0x1] =	wrdreg $0xFFFFFFFF  }
0xa7: {  	s28 =	simm.s32 $_size_execute0_lowered;
	s3 =	sadd.s32 s3, s5;
	[dreg:$0x0] =	wrdreg $0x0  }
0xa8: {  	s5 =	sshll.u32 s28, $0x1;
	[dreg:$0x2] =	wrdreg s3  }
0xa9: {  	[dreg:$0x3] =	wrdreg s5  }
0xaa: {  	[dreg:$0x4] =	wrdreg $0xC0  }
0xab: {  	_ =	task [dreg:s7], $0x5FFFF  }
0xac: {  	[dreg:$0x1] =	wrdreg $0xFFFFFFFF  }
0xad: {  	[dreg:$0x0] =	wrdreg $0x60  }
0xae: {  	[dreg:$0x2] =	wrdreg s24  }
0xaf: {  	[dreg:$0x3] =	wrdreg s2  }
0xb0: {  	[dreg:$0x4] =	wrdreg $0x90000  }
0xb1: {  	[dreg:$0x5] =	wrdreg $0x9  }
0xb2: {  	_ =	task.clear_ibuf [dreg:s7], $0x6FFFF;
	_ =	strace $0x9000004C  }
0xb3: {  	s29 =	simm.s32 $0x9;
	_ =	strace $0x8000004E  }
0xb4: {  	_ =	swait.ge [sflag:s29], $0x1  }
0xb5: {  	[sflag:s29] =	ssyncadd.s32 $0xFFFFFFFF  }
0xb6: {  	_ =	strace $0x9000004E  }
0xb7: {  	_ =	sfence  }
0xb8: {  	s30 =	sld [smem:$0x0];
	_ =	sdelay $0x2  }
0xb9: {  	s31 =	sshll.u32 s1, $0xD;
	s1 =	sshrl.u32 s1, $0x2  }
0xba: {  	s3 =	sand.u32 $0x4000, s31;
	s1 =	sadd.s32 s1, s30  }
0xbb: {  	s0 =	sor.u32 s3, s0;
	s1 =	sshll.u32 s1, $0x11  }
0xbc: {  	s0 =	sor.u32 s1, s0  }
0xbd: {  	s0 =	sadd.s32 $0x8F2B, s0  }
0xbe: {  	[sflag:s0] =	ssyncadd.remote.s32 $0x1  }
0xbf: {  	_ =	sfence.sel $0xFFFF  }
0xc0: {  	[dreg:$0x0] =	wrdreg $0xFFFFFFFF;
	(pc) =	sbr.abs _section_cstart, $3  }
0xc1: {  	[dreg:$0x1] =	wrdreg $0xFFFFFFFF  }
0xc2: {  	_ =	task.clear_ibuf [dreg:s7], $0x2FFFF;
	_ =	strace $0x9FFFFFFF  }
0xc3: {  	(tm) =	ssettm $0x7FFFFFFF  }
tec
execute0_lowered:
.L_overlay_start_1:
0x0: {  	(tag) =	ssettag $0x1  }
0x1: {  	s5 =	rddreg [dreg:$0x0]  }
0x2: {  	s6 =	rddreg [dreg:$0x1]  }
0x3: {  	s2 =	rddreg [dreg:$0x2]  }
0x4: {  	s0 =	srdreg.scid;
	s1 =	rddreg [dreg:$0x3]  }
0x5: {  	s3 =	simm.s32 $0x0;
	s14 =	simm.s32 $0x2;
	s7 =	sand.u32 $0x1, s0  }
0x6: {  	s15 =	simm.s32 $0x2800;
	s0 =	stileid.u32;
	s4 =	smul.u32 $0x28000, s7  }
0x7: {  	s16 =	simm.s32 $0x5000;
	s17 =	simm.s32 $0x80;
	s8 =	smul.u32 $0x2800, s0  }
0x8: {  	s18 =	simm.s32 $0x1;
	[smem:$0x7FF] =	sst s3;
	s9 =	smul.u32 $0x140000, s7  }
0x9: {  	s21 =	simm.s32 $0x0;
	s10 =	smul.u32 $0x14000, s0;
	_ =	strace $0x8000004D  }
0xa: {  	s7 =	ssub.s32 $0x2, s7;
	s30 =	smul.u32 $0x50000, s0;
	s19 =	sshll.u32 s0, $0x6  }
0xb: {  	s12 =	sshrl.u32 s7, $0x1;
	s19 =	sor.u32 $0x1C02, s19;
	s8 =	sadd.s32 s8, s4  }
0xc: {  	s4 =	sadd.s32 $0x3600, s5;
	s9 =	sadd.s32 s10, s9;
	s12 =	ssub.s32 s7, s12  }
0xd: {  	s31 =	sshrl.u32 s30, $0x2;
	s8 =	sshrl.u32 s8, $0x3;
	s9 =	sshrl.u32 s9, $0x3  }
0xe: {  	s7 =	sadd.s32 s31, s2;
	s11 =	sadd.s32 s8, s5;
	s9 =	sadd.s32 s9, s5  }
0xf: {  	s6 =	sadd.s32 s6, s8;
	s10 =	sadd.s32 $0x4000, s7;
	s13 =	sadd.s32 $0x10000, s7  }
0x10: {  	s20 =	sshrl.u32 s7, $0x3;
	s5 =	sadd.s32 $0x53600, s11;
	s8 =	sadd.s32 $0x5D600, s9  }
0x11: {  	v0 =	vimm.f32 $0.0e+00;
	s9 =	smax.u32 s12, $0x1;
	s11 =	sadd.s32 $0x8000, s7;
	s12 =	sadd.s32 $0xC000, s7  }
.LBB2_1:
0x12: {  	[tilespmem:s3], [sflag:$0x2] =	stream.linear.gather [hbm4b:s5+s3], $0x2780, $0x38;
	[tilespmem:$0x1D000] =	vst v63  }
0x13: {  	_ =	swait.ge [sflag:s14], $0x2780  }
0x14: {  	[sflag:s14] =	ssyncset.done $0x0  }
0x15: {  	[sflag:s14] =	ssyncadd.s32 $0xFFFFD880  }
0x16: {  	[tilespmem:s15], [sflag:$0x2] =	stream.linear.gather [hbm4b:s6+s3], $0x2780, $0x38;
	[tilespmem:$0x1D000] =	vst v63  }
0x17: {  	_ =	swait.ge [sflag:s14], $0x2780  }
0x18: {  	[sflag:s14] =	ssyncset.done $0x0  }
0x19: {  	s22 =	simm.s32 $0x0;
	s23 =	simm.s32 $0x200;
	[sflag:s14] =	ssyncadd.s32 $0xFFFFD880  }
.LBB2_2:
0x1a: {  	p0 =	sne.s32 s23, $0xFE00;
	[tilespmem:s22+$0x5070] =	vst v0  }
0x1b: {  	[tilespmem:s22+$0x5000] =	vst v0  }
0x1c: {  	[tilespmem:s22+$0x5010] =	vst v0  }
.Ltmp0:
0x1d: {  	[tilespmem:s22+$0x5020] =	vst v0;
	(pc) =	sbr.rel @p0 .LBB2_2-.Ltmp0, $4  }
0x1e: {  	[tilespmem:s22+$0x5030] =	vst v0  }
0x1f: {  	[tilespmem:s22+$0x5040] =	vst v0  }
0x20: {  	[tilespmem:s22+$0x5050] =	vst v0  }
0x21: {  	[tilespmem:s22+$0x5060] =	vst v0;
	s22 =	sshra.s32 s23, $0x2;
	s23 =	sadd.s32 $0x200, s23  }
0x22: {  	[tilespmem:s22+$0x5070] =	vst v0  }
0x23: {  	[tilespmem:s22+$0x5000] =	vst v0  }
0x24: {  	[tilespmem:s22+$0x5010] =	vst v0  }
0x25: {  	[tilespmem:s22+$0x5020] =	vst v0  }
0x26: {  	[tilespmem:s22+$0x5030] =	vst v0  }
0x27: {  	[tilespmem:s22+$0x5040] =	vst v0  }
0x28: {  	[tilespmem:s22+$0x5050] =	vst v0  }
0x29: {  	[tilespmem:s22+$0x5060] =	vst v0  }
0x2a: {  	[spmem:s7] =	stream.linear.scatter [tilespmem:s16], [sflag:$0x2], $0x4000, $0x38;
	[tilespmem:$0x1D000] =	vst v63  }
0x2b: {  	_ =	swait.ge [sflag:s14], $0x4000  }
0x2c: {  	[sflag:s14] =	ssyncset.done $0x0  }
0x2d: {  	[sflag:s14] =	ssyncadd.s32 $0xFFFFC000  }
0x2e: {  	[spmem:s10] =	stream.linear.scatter [tilespmem:s16], [sflag:$0x2], $0x4000, $0x38;
	[tilespmem:$0x1D000] =	vst v63  }
0x2f: {  	_ =	swait.ge [sflag:s14], $0x4000  }
0x30: {  	[sflag:s14] =	ssyncset.done $0x0  }
0x31: {  	[sflag:s14] =	ssyncadd.s32 $0xFFFFC000  }
0x32: {  	[spmem:s11] =	stream.linear.scatter [tilespmem:s16], [sflag:$0x2], $0x4000, $0x38;
	[tilespmem:$0x1D000] =	vst v63  }
0x33: {  	_ =	swait.ge [sflag:s14], $0x4000  }
0x34: {  	[sflag:s14] =	ssyncset.done $0x0  }
0x35: {  	[sflag:s14] =	ssyncadd.s32 $0xFFFFC000  }
0x36: {  	[spmem:s12] =	stream.linear.scatter [tilespmem:s16], [sflag:$0x2], $0x4000, $0x38;
	[tilespmem:$0x1D000] =	vst v63  }
0x37: {  	_ =	swait.ge [sflag:s14], $0x4000  }
0x38: {  	[sflag:s14] =	ssyncset.done $0x0  }
0x39: {  	[sflag:s14] =	ssyncadd.s32 $0xFFFFC000  }
0x3a: {  	[spmem:s13] =	stream.linear.scatter [tilespmem:s16], [sflag:$0x2], $0x4000, $0x38;
	[tilespmem:$0x1D000] =	vst v63  }
0x3b: {  	_ =	swait.ge [sflag:s14], $0x4000  }
0x3c: {  	[sflag:s14] =	ssyncset.done $0x0  }
0x3d: {  	[sflag:s14] =	ssyncadd.s32 $0xFFFFC000  }
0x3e: {  	s30 =	simm.s32 $0x0;
	[bflag:$0x0] =	sbarrier.arrive $0xFFFF  }
0x3f: {  	[tilespmem:s16], [sflag:$0x1] =	stream.indirect.gather [hbm4b:s4+s17], $0x80, s30, s17, $0xb8;
	[tilespmem:$0x1D000] =	vst v63  }
0x40: {  	_ =	swait.ge [sflag:s18], $0x4000  }
0x41: {  	[sflag:s18] =	ssyncset.done $0x0  }
0x42: {  	s31 =	simm.s32 $0x2800;
	[sflag:s18] =	ssyncadd.s32 $0xFFFFC000  }
0x43: {  	[spmem:s2] =	stream.indirect.scatter.add.f32 [tilespmem:s16], [sflag:$0x2], $0x80, s31, s17, $0xb8;
	[tilespmem:$0x1D000] =	vst v63  }
0x44: {  	_ =	swait.ge [sflag:s14], $0x4000  }
0x45: {  	s22 =	simm.s32 $0x200;
	s23 =	simm.s32 $0x400;
	[sflag:s14] =	ssyncset.done $0x0  }
.LBB2_4:
0x46: {  	s24 =	sshra.s32 s22, $0x2  }
0x47: {  	[sflag:s14] =	ssyncadd.s32 $0xFFFFC000;
	s22 =	smov.u32 s23;
	s25 =	sadd.s32 $0x200, s23  }
0x48: {  	[tilespmem:s16], [sflag:$0x1] =	stream.indirect.gather [hbm4b:s4+s17], $0x80, s24, s17, $0xb8;
	[tilespmem:$0x1D000] =	vst v63  }
0x49: {  	p0 =	sne.s32 s23, $0x9C00;
	_ =	swait.ge [sflag:s18], $0x4000  }
.Ltmp1:
0x4a: {  	[sflag:s18] =	ssyncset.done $0x0;
	(pc) =	sbr.rel @p0 .LBB2_4-.Ltmp1, $4  }
0x4b: {  	s23 =	sadd.s32 $0x2800, s24;
	[sflag:s18] =	ssyncadd.s32 $0xFFFFC000  }
0x4c: {  	[spmem:s2] =	stream.indirect.scatter.add.f32 [tilespmem:s16], [sflag:$0x2], $0x80, s23, s17, $0xb8;
	[tilespmem:$0x1D000] =	vst v63  }
0x4d: {  	_ =	swait.ge [sflag:s14], $0x4000  }
0x4e: {  	s23 =	smov.u32 s25;
	[sflag:s14] =	ssyncset.done $0x0  }
0x4f: {  	s22 =	sshra.s32 s22, $0x2;
	[sflag:s14] =	ssyncadd.s32 $0xFFFFC000  }
0x50: {  	[tilespmem:s16], [sflag:$0x1] =	stream.indirect.gather [hbm4b:s4+s17], $0x80, s22, s17, $0xb8;
	[tilespmem:$0x1D000] =	vst v63  }
0x51: {  	_ =	swait.ge [sflag:s18], $0x4000  }
0x52: {  	[sflag:s18] =	ssyncset.done $0x0  }
0x53: {  	s22 =	sadd.s32 $0x2800, s22;
	[sflag:s18] =	ssyncadd.s32 $0xFFFFC000  }
0x54: {  	[spmem:s2] =	stream.indirect.scatter.add.f32 [tilespmem:s16], [sflag:$0x2], $0x80, s22, s17, $0xb8;
	[tilespmem:$0x1D000] =	vst v63  }
0x55: {  	_ =	swait.ge [sflag:s14], $0x4000  }
0x56: {  	s21 =	sadd.s32 $0x1, s21;
	[sflag:s14] =	ssyncset.done $0x0  }
0x57: {  	p0 =	sne.s32 s21, s9;
	[sflag:s14] =	ssyncadd.s32 $0xFFFFC000  }
.Ltmp2:
0x58: {  	[bflag:$0x0] =	sbarrier.arrive $0xFFFF;
	(pc) =	sbr.rel @p0 .LBB2_1-.Ltmp2, $4  }
0x59: {  	[hbm:s8], [sflag:s19] =	dma.local [spmem:s20], $0x2800  }
0x5a: {  	_ =	swait.ge [sflag:s14], $0x2800  }
0x5b: {  	[sflag:s14] =	ssyncset.done $0x0  }
0x5c: {  	[sflag:s14] =	ssyncadd.s32 $0xFFFFD800  }
0x5d: {  	_ =	sfence.sel $0x180000  }
0x5e: {  	[bflag:$0x0] =	sbarrier.arrive $0xFFFF  }
0x5f: {  	p0 =	sne.s32 s0, $0x0;
	_ =	strace $0x9000004D  }
0x60: {  	s0 =	sadd.s32 @!p0 $0x100000, s1;
	[bflag:$0x2] =	sbarrier.arrive $0xFFFF  }
0x61: {  	[sflag:s0] =	ssyncadd.tile.s32 @!p0 $0x1;
	_ =	shalt  }
.Lfunc_end2:
_tile_overlayer_lowered:
.L_overlay_start_2:
0x62: {  	(tag) =	ssettag $0x2  }
0x63: {  	s0 =	rddreg [dreg:$0x0];
	s2 =	stileid.u32  }
0x64: {  	s1 =	rddreg [dreg:$0x1];
	p0 =	sne.s32 s2, $0x0  }
0x65: {  	s3 =	rddreg [dreg:$0x2];
	[bflag:$0x3] =	sbarrier.arrive $0xFFFF;
	s2 =	simm.s32 @!p0 $0x1C02  }
0x66: {  	[timem:s3], [sflag:s2] =	dma.local @!p0 [hbm:s0], s1  }
0x67: {  	s0 =	simm.s32 @!p0 $0x2  }
0x68: {  	_ =	swait.ge @!p0 [sflag:s0], s1  }
0x69: {  	s1 =	ssub.s32 @!p0 $0x0, s1;
	[sflag:s0] =	ssyncset.done @!p0 $0x0  }
0x6a: {  	[sflag:s0] =	ssyncadd.s32 @!p0 s1  }
0x6b: {  	[bflag:$0x3] =	sbarrier.arrive $0xFFFF  }
0x6c: {  	_ =	shalt  }

// kernel: kernel.9.cloned.1.call-start
scs
__scs_entry_jumppad:
0x0: {  	(pc) =	sbr.rel $0x88, $3  }
0x1: {  	(tag) =	ssettag $0x0;
	lr =	simm.s32 $0x1  }
0x2: {  	[smem:$0x3F9B] =	sst lr;
	_ =	strace $0xD0000000  }
0x3: {  	_ = 	snop  }
0x4: {  	_ = 	snop  }
0x5: {  	_ = 	snop  }
0x6: {  	_ = 	snop  }
0x7: {  	_ = 	snop  }
__scs_overlays_trampoline_lowered:
0x8: {  	[smem:$0x3FAA] =	sst s0  }
0x9: {  	[smem:$0x3FAB] =	sst s1  }
0xa: {  	[smem:$0x3FAC] =	sst s2  }
0xb: {  	[smem:$0x3FAD] =	sst s3  }
0xc: {  	[smem:$0x3FAE] =	sst s4  }
0xd: {  	[smem:$0x3FAF] =	sst s5  }
0xe: {  	[smem:$0x3FB0] =	sst s6  }
0xf: {  	[smem:$0x3FB1] =	sst s7  }
0x10: {  	[smem:$0x3FB2] =	sst s8  }
0x11: {  	[smem:$0x3FB3] =	sst s9;
	s0 =	simm.s32 @!p0 $0x0  }
0x12: {  	s1 =	sld [smem:$0x3F99];
	s0 =	simm.s32 @p0 $0x1  }
0x13: {  	[smem:$0x3FB4] =	sst s0;
	s0 =	simm.s32 @!p1 $0x0  }
0x14: {  	s2 =	sld [smem:$0x3F98];
	s0 =	simm.s32 @p1 $0x1  }
0x15: {  	[smem:$0x3FB5] =	sst s0;
	s0 =	simm.s32 @!p2 $0x0  }
0x16: {  	s3 =	sld [smem:$0x3FDB];
	s0 =	simm.s32 @p2 $0x1  }
0x17: {  	s4 =	simm.s32 $0x1BF5;
	[smem:$0x3FB7] =	sst s0  }
0x18: {  	s0 =	sld [smem:$0x3F9A];
	_ =	swait.ge [sflag:s4], $0x0  }
0x19: {  	s7 =	sld [smem:$0x3F9B]  }
0x1a: {  	s8 =	sadd.s32 $0xFFFFE003, lr  }
0x1b: {  	s9 =	sadd.s32 $0xFFFFFEF7, lr;
	s5 =	simm.s32 $0xFFFFFFFF;
	p2 =	slt.u32 s8, $0xFFFFF086  }
0x1c: {  	p1 =	slt.u32 s9, $0xF7A;
	s5 =	simm.s32 @!p2 $0x0  }
0x1d: {  	s5 =	simm.s32 @p1 $0x1;
	p0 =	seq.s32 s7, s2  }
0x1e: {  	s7 =	smul.u32 @!p0 $0xF7A, s2;
	p2 =	seq.s32 @!p0 s5, $0x0  }
0x1f: {  	s9 =	smul.u32 $0xF7A, s1;
	s8 =	simm.s32 @!p0 $0x1BF5;
	p2 =	por !p2, p0  }
0x20: {  	[sflag:s8] =	ssyncset.s32 @!p0 $0xFFFFF086;
	s6 =	sadd.s32 @!p0 s3, s7;
	s7 =	simm.s32 @!p0 $0x108  }
0x21: {  	s3 =	sadd.s32 s3, s9;
	s6 =	sadd.s32 @!p0 $0x88, s6;
	s7 =	simm.s32 @p2 $0x1082  }
0x22: {  	[simem:s7], [sflag:s8] =	dma.local @!p0 [hbm:s6], $0xF7A  }
0x23: {  	s9 =	sor.u32 $0xD0000000, s2;
	s6 =	simm.s32 $0x108;
	_ =	swait.ge @!p0 [sflag:s8], $0x0  }
0x24: {  	s3 =	sadd.s32 $0x88, s3;
	s6 =	simm.s32 @!p1 $0x1082;
	[sflag:s4] =	ssyncset.s32 $0xFFFFF086  }
0x25: {  	[simem:s6], [sflag:s4] =	dma.local [hbm:s3], $0xF7A  }
0x26: {  	[smem:$0x3F9B] =	sst s1;
	(tag) =	ssettag s2;
	_ =	strace s9  }
0x27: {  	s1 =	sld [smem:$0x3FAB]  }
0x28: {  	s2 =	sld [smem:$0x3FAC]  }
0x29: {  	s4 =	sld [smem:$0x3FAE]  }
0x2a: {  	p0 =	seq.s32 s5, $0x0;
	s5 =	sld [smem:$0x3FAF]  }
0x2b: {  	s6 =	sld [smem:$0x3FB0]  }
0x2c: {  	s7 =	sld [smem:$0x3FB1]  }
0x2d: {  	s3 =	simm.s32 $0x108;
	s8 =	sld [smem:$0x3FB2]  }
0x2e: {  	s3 =	simm.s32 @!p0 $0x1082;
	s9 =	sld [smem:$0x3FB3]  }
0x2f: {  	lr =	sadd.s32 s0, s3;
	s0 =	sld [smem:$0x3FAA]  }
0x30: {  	s3 =	sld [smem:$0x3FAD]  }
0x31: {  	[smem:$0x3FB6] =	sst s10  }
0x32: {  	s10 =	sld [smem:$0x3FB4];
	_ =	sdelay $0x3  }
0x33: {  	p0 =	seq.s32 s10, $0x1;
	s10 =	sld [smem:$0x3FB6];
	_ =	sdelay $0x3  }
0x34: {  	[smem:$0x3FB6] =	sst s10  }
0x35: {  	s10 =	sld [smem:$0x3FB5];
	_ =	sdelay $0x3  }
0x36: {  	p1 =	seq.s32 s10, $0x1;
	s10 =	sld [smem:$0x3FB6];
	_ =	sdelay $0x3  }
0x37: {  	[smem:$0x3FB6] =	sst s10  }
0x38: {  	s10 =	sld [smem:$0x3FB7]  }
0x39: {  	_ = 	snop;
	(pc) =	sbr.ind lr, $3  }
0x3a: {  	_ = 	snop  }
0x3b: {  	_ = 	snop  }
0x3c: {  	p2 =	seq.s32 s10, $0x1;
	s10 =	sld [smem:$0x3FB6]  }
0x3d: {  	_ =	shalt  }
0x3e: {  	_ =	shalt  }
0x3f: {  	_ =	shalt  }
0x40: {  	_ =	shalt  }
0x41: {  	_ =	shalt  }
0x42: {  	_ =	shalt  }
0x43: {  	_ =	shalt  }
0x44: {  	_ =	shalt  }
0x45: {  	_ =	shalt  }
0x46: {  	_ =	shalt  }
0x47: {  	_ =	shalt  }
0x48: {  	_ =	shalt  }
0x49: {  	_ =	shalt  }
0x4a: {  	_ =	shalt  }
0x4b: {  	_ =	shalt  }
0x4c: {  	_ =	shalt  }
0x4d: {  	_ =	shalt  }
0x4e: {  	_ =	shalt  }
0x4f: {  	_ =	shalt  }
0x50: {  	_ =	shalt  }
0x51: {  	_ =	shalt  }
0x52: {  	_ =	shalt  }
0x53: {  	_ =	shalt  }
0x54: {  	_ =	shalt  }
0x55: {  	_ =	shalt  }
0x56: {  	_ =	shalt  }
0x57: {  	_ =	shalt  }
0x58: {  	_ =	shalt  }
0x59: {  	_ =	shalt  }
0x5a: {  	_ =	shalt  }
0x5b: {  	_ =	shalt  }
0x5c: {  	_ =	shalt  }
0x5d: {  	_ =	shalt  }
0x5e: {  	_ =	shalt  }
0x5f: {  	_ =	shalt  }
0x60: {  	_ =	shalt  }
0x61: {  	_ =	shalt  }
0x62: {  	_ =	shalt  }
0x63: {  	_ =	shalt  }
0x64: {  	_ =	shalt  }
0x65: {  	_ =	shalt  }
0x66: {  	_ =	shalt  }
0x67: {  	_ =	shalt  }
0x68: {  	_ =	shalt  }
0x69: {  	_ =	shalt  }
0x6a: {  	_ =	shalt  }
0x6b: {  	_ =	shalt  }
0x6c: {  	_ =	shalt  }
0x6d: {  	_ =	shalt  }
0x6e: {  	_ =	shalt  }
0x6f: {  	_ =	shalt  }
0x70: {  	_ =	shalt  }
0x71: {  	_ =	shalt  }
0x72: {  	_ =	shalt  }
0x73: {  	_ =	shalt  }
0x74: {  	_ =	shalt  }
0x75: {  	_ =	shalt  }
0x76: {  	_ =	shalt  }
0x77: {  	_ =	shalt  }
0x78: {  	_ =	shalt  }
0x79: {  	_ =	shalt  }
0x7a: {  	_ =	shalt  }
0x7b: {  	_ =	shalt  }
0x7c: {  	_ =	shalt  }
0x7d: {  	_ =	shalt  }
0x7e: {  	_ =	shalt  }
0x7f: {  	_ =	shalt  }
0x80: {  	_ =	shalt  }
0x81: {  	_ =	shalt  }
0x82: {  	_ =	shalt  }
0x83: {  	_ =	shalt  }
0x84: {  	_ =	shalt  }
0x85: {  	_ =	shalt  }
0x86: {  	_ =	shalt  }
0x87: {  	_ =	shalt  }
.Lfunc_end0:
.L_simem_size_0:
called_computation_lowered:
.L_overlay_start_0:
0x88: {  	s2 =	sld [smem:$0x3FD9]  }
0x89: {  	s3 =	sld [smem:$0x3FFE];
	_ =	sdelay $0x1  }
0x8a: {  	s1 =	srdreg.scid  }
0x8b: {  	s0 =	sand.u32 $0x1, s1  }
0x8c: {  	s17 =	sshll.u32 s0, $0xA;
	s2 =	sadd.s32 s3, s2  }
0x8d: {  	s2 =	sadd.s32 s2, s17  }
0x8e: {  	[smem:$0x3FC2] =	sst s2  }
0x8f: {  	_ = 	snop  }
0x90: {  	s2 =	sld [smem:$0x3FD0];
	(tm) =	ssettm $0x1  }
0x91: {  	s18 =	sld [smem:$0x3FFB];
	_ =	sdelay $0x3  }
0x92: {  	_ =	strace s18  }
0x93: {  	s3 =	sld [smem:$0x3FFC];
	_ =	sdelay $0x3  }
0x94: {  	_ =	strace s3  }
0x95: {  	s3 =	sld [smem:$0x3FFD];
	_ =	sdelay $0x3  }
0x96: {  	_ =	strace s3  }
0x97: {  	_ =	strace $0x8FFFFFFF  }
0x98: {  	s19 =	sld [smem:$0x3FDB];
	_ =	sdelay $0x1  }
0x99: {  	s4 =	simm.s32 $_scs_section_size  }
0x9a: {  	s5 =	simm.s32 $_size__tile_overlayer_lowered;
	s6 =	simm.s32 $_tile_overlayer_lowered  }
0x9b: {  	s22 =	simm.s32 $0x1BFF;
	s21 =	sshll.u32 s6, $0x1;
	s3 =	sadd.s32 s4, s19  }
0x9c: {  	s7 =	simm.s32 $0x0;
	s20 =	sshll.u32 s5, $0x1;
	s5 =	sadd.s32 s21, s3  }
0x9d: {  	[timem:s7], [sflag:s22] =	dma.local [hbm:s5], s20  }
0x9e: {  	_ =	swait.ge [sflag:s22], s20  }
0x9f: {  	s4 =	ssub.s32 $0x0, s20;
	[sflag:s22] =	ssyncset.done $0x0  }
0xa0: {  	[sflag:s22] =	ssyncadd.s32 s4;
	_ =	sdelay $0x1  }
0xa1: {  	s23 =	simm.s32 $0x1B8B  }
0xa2: {  	_ =	swait.ge [sflag:s23], $0x1  }
0xa3: {  	[sflag:s23] =	ssyncset.done $0x0  }
0xa4: {  	s25 =	simm.s32 $0x1B8E;
	s24 =	sld [smem:$0x3FFE];
	[sflag:s23] =	ssyncadd.s32 $0xFFFFFFFF  }
0xa5: {  	s26 =	simm.s32 $execute0_lowered;
	[smem:$0x3FD2] =	sst s25  }
0xa6: {  	s5 =	sshll.u32 s26, $0x1;
	_ =	strace $0x80000046;
	[dreg:$0x1] =	wrdreg $0xFFFFFFFF  }
0xa7: {  	s28 =	simm.s32 $_size_execute0_lowered;
	s3 =	sadd.s32 s3, s5;
	[dreg:$0x0] =	wrdreg $0x0  }
0xa8: {  	s5 =	sshll.u32 s28, $0x1;
	[dreg:$0x2] =	wrdreg s3  }
0xa9: {  	[dreg:$0x3] =	wrdreg s5  }
0xaa: {  	[dreg:$0x4] =	wrdreg $0xC0  }
0xab: {  	_ =	task [dreg:s7], $0x5FFFF  }
0xac: {  	[dreg:$0x1] =	wrdreg $0xFFFFFFFF  }
0xad: {  	[dreg:$0x0] =	wrdreg $0x60  }
0xae: {  	[dreg:$0x2] =	wrdreg s2  }
0xaf: {  	[dreg:$0x3] =	wrdreg s24  }
0xb0: {  	[dreg:$0x4] =	wrdreg $0x68000  }
0xb1: {  	[dreg:$0x5] =	wrdreg $0x9  }
0xb2: {  	_ =	task.clear_ibuf [dreg:s7], $0x6FFFF;
	_ =	strace $0x90000046  }
0xb3: {  	s29 =	simm.s32 $0x9;
	_ =	strace $0x80000048  }
0xb4: {  	_ =	swait.ge [sflag:s29], $0x1  }
0xb5: {  	[sflag:s29] =	ssyncadd.s32 $0xFFFFFFFF  }
0xb6: {  	_ =	strace $0x90000048  }
0xb7: {  	_ =	sfence  }
0xb8: {  	s30 =	sld [smem:$0x0];
	_ =	sdelay $0x2  }
0xb9: {  	s31 =	sshll.u32 s1, $0xD;
	s1 =	sshrl.u32 s1, $0x2  }
0xba: {  	s3 =	sand.u32 $0x4000, s31;
	s1 =	sadd.s32 s1, s30  }
0xbb: {  	s0 =	sor.u32 s3, s0;
	s1 =	sshll.u32 s1, $0x11  }
0xbc: {  	s0 =	sor.u32 s1, s0  }
0xbd: {  	s0 =	sadd.s32 $0x8F2B, s0  }
0xbe: {  	[sflag:s0] =	ssyncadd.remote.s32 $0x1  }
0xbf: {  	_ =	sfence.sel $0xFFFF  }
0xc0: {  	[dreg:$0x0] =	wrdreg $0xFFFFFFFF;
	(pc) =	sbr.abs _section_cstart, $3  }
0xc1: {  	[dreg:$0x1] =	wrdreg $0xFFFFFFFF  }
0xc2: {  	_ =	task.clear_ibuf [dreg:s7], $0x2FFFF;
	_ =	strace $0x9FFFFFFF  }
0xc3: {  	(tm) =	ssettm $0x7FFFFFFF  }
tec
execute0_lowered:
.L_overlay_start_1:
0x0: {  	(tag) =	ssettag $0x1  }
0x1: {  	s4 =	rddreg [dreg:$0x0]  }
0x2: {  	s5 =	rddreg [dreg:$0x1];
	s0 =	srdreg.scid  }
0x3: {  	s2 =	rddreg [dreg:$0x2];
	s1 =	stileid.u32;
	s3 =	simm.s32 $0x0  }
0x4: {  	s12 =	simm.s32 $0x1;
	s13 =	simm.s32 $0x2800;
	s8 =	smul.u32 $0x14000, s1  }
0x5: {  	s14 =	simm.s32 $0x80;
	s17 =	simm.s32 $0x0;
	s26 =	smul.u32 $0x2800, s1  }
0x6: {  	s6 =	sand.u32 $0x1, s0;
	s0 =	rddreg [dreg:$0x3];
	s10 =	smul.u32 $0x50000, s1  }
0x7: {  	[smem:$0x7FF] =	sst s3;
	s15 =	sshll.u32 s1, $0x6;
	s7 =	smul.u32 $0x140000, s6  }
0x8: {  	s9 =	smul.u32 $0x28000, s6;
	_ =	strace $0x80000047;
	s6 =	ssub.s32 $0x2, s6  }
0x9: {  	s15 =	sor.u32 $0x1C01, s15;
	s28 =	sshrl.u32 s6, $0x1;
	s7 =	sadd.s32 s8, s7  }
0xa: {  	s31 =	sshrl.u32 s10, $0x2;
	s8 =	sadd.s32 s26, s9;
	s7 =	sshrl.u32 s7, $0x3  }
0xb: {  	s29 =	ssub.s32 s6, s28;
	s30 =	sshrl.u32 s8, $0x3;
	s7 =	sadd.s32 s7, s5  }
0xc: {  	s4 =	sadd.s32 s4, s30;
	s5 =	sadd.s32 s31, s2;
	s6 =	sadd.s32 $0x3600, s7  }
0xd: {  	s7 =	smax.u32 s29, $0x1;
	s8 =	sadd.s32 $0x4000, s5;
	s9 =	sadd.s32 $0x8000, s5  }
0xe: {  	v0 =	vimm.f32 $0.0e+00;
	v1 =	vimm.f32 $1.000000000e+00;
	s10 =	sadd.s32 $0xC000, s5;
	s11 =	sadd.s32 $0x10000, s5;
	s16 =	sshrl.u32 s5, $0x3  }
.LBB2_1:
0xf: {  	[tilespmem:s3], [sflag:$0x1] =	stream.linear.gather [hbm4b:s4+s3], $0x2780, $0x38;
	[tilespmem:$0x1A800] =	vst v63  }
0x10: {  	_ =	swait.ge [sflag:s12], $0x2780  }
0x11: {  	[sflag:s12] =	ssyncset.done $0x0  }
0x12: {  	s18 =	simm.s32 $0x0;
	s19 =	simm.s32 $0x200;
	[sflag:s12] =	ssyncadd.s32 $0xFFFFD880  }
.LBB2_2:
0x13: {  	p0 =	sne.s32 s19, $0xFE00;
	[tilespmem:s18+$0x2870] =	vst v0  }
0x14: {  	[tilespmem:s18+$0x2800] =	vst v0  }
0x15: {  	[tilespmem:s18+$0x2810] =	vst v0  }
.Ltmp0:
0x16: {  	[tilespmem:s18+$0x2820] =	vst v0;
	(pc) =	sbr.rel @p0 .LBB2_2-.Ltmp0, $4  }
0x17: {  	[tilespmem:s18+$0x2830] =	vst v0  }
0x18: {  	[tilespmem:s18+$0x2840] =	vst v0  }
0x19: {  	[tilespmem:s18+$0x2850] =	vst v0  }
0x1a: {  	[tilespmem:s18+$0x2860] =	vst v0;
	s18 =	sshra.s32 s19, $0x2;
	s19 =	sadd.s32 $0x200, s19  }
0x1b: {  	[tilespmem:s18+$0x2870] =	vst v0  }
0x1c: {  	[tilespmem:s18+$0x2800] =	vst v0  }
0x1d: {  	[tilespmem:s18+$0x2810] =	vst v0  }
0x1e: {  	[tilespmem:s18+$0x2820] =	vst v0  }
0x1f: {  	[tilespmem:s18+$0x2830] =	vst v0  }
0x20: {  	[tilespmem:s18+$0x2840] =	vst v0  }
0x21: {  	[tilespmem:s18+$0x2850] =	vst v0  }
0x22: {  	[tilespmem:s18+$0x2860] =	vst v0  }
0x23: {  	[spmem:s5] =	stream.linear.scatter [tilespmem:s13], [sflag:$0x1], $0x4000, $0x38;
	[tilespmem:$0x1A800] =	vst v63  }
0x24: {  	_ =	swait.ge [sflag:s12], $0x4000  }
0x25: {  	[sflag:s12] =	ssyncset.done $0x0  }
0x26: {  	[sflag:s12] =	ssyncadd.s32 $0xFFFFC000  }
0x27: {  	[spmem:s8] =	stream.linear.scatter [tilespmem:s13], [sflag:$0x1], $0x4000, $0x38;
	[tilespmem:$0x1A800] =	vst v63  }
0x28: {  	_ =	swait.ge [sflag:s12], $0x4000  }
0x29: {  	[sflag:s12] =	ssyncset.done $0x0  }
0x2a: {  	[sflag:s12] =	ssyncadd.s32 $0xFFFFC000  }
0x2b: {  	[spmem:s9] =	stream.linear.scatter [tilespmem:s13], [sflag:$0x1], $0x4000, $0x38;
	[tilespmem:$0x1A800] =	vst v63  }
0x2c: {  	_ =	swait.ge [sflag:s12], $0x4000  }
0x2d: {  	[sflag:s12] =	ssyncset.done $0x0  }
0x2e: {  	[sflag:s12] =	ssyncadd.s32 $0xFFFFC000  }
0x2f: {  	[spmem:s10] =	stream.linear.scatter [tilespmem:s13], [sflag:$0x1], $0x4000, $0x38;
	[tilespmem:$0x1A800] =	vst v63  }
0x30: {  	_ =	swait.ge [sflag:s12], $0x4000  }
0x31: {  	[sflag:s12] =	ssyncset.done $0x0  }
0x32: {  	[sflag:s12] =	ssyncadd.s32 $0xFFFFC000  }
0x33: {  	[spmem:s11] =	stream.linear.scatter [tilespmem:s13], [sflag:$0x1], $0x4000, $0x38;
	[tilespmem:$0x1A800] =	vst v63  }
0x34: {  	_ =	swait.ge [sflag:s12], $0x4000  }
0x35: {  	[sflag:s12] =	ssyncset.done $0x0  }
0x36: {  	s18 =	simm.s32 $0x0;
	s19 =	simm.s32 $0x200;
	[sflag:s12] =	ssyncadd.s32 $0xFFFFC000  }
.LBB2_4:
0x37: {  	p0 =	sne.s32 s19, $0xFE00;
	[tilespmem:s18+$0x2870] =	vst v1  }
0x38: {  	[tilespmem:s18+$0x2800] =	vst v1  }
0x39: {  	[tilespmem:s18+$0x2810] =	vst v1  }
.Ltmp1:
0x3a: {  	[tilespmem:s18+$0x2820] =	vst v1;
	(pc) =	sbr.rel @p0 .LBB2_4-.Ltmp1, $4  }
0x3b: {  	[tilespmem:s18+$0x2830] =	vst v1  }
0x3c: {  	[tilespmem:s18+$0x2840] =	vst v1  }
0x3d: {  	[tilespmem:s18+$0x2850] =	vst v1  }
0x3e: {  	[tilespmem:s18+$0x2860] =	vst v1;
	s18 =	sshra.s32 s19, $0x2;
	s19 =	sadd.s32 $0x200, s19  }
0x3f: {  	[tilespmem:s18+$0x2870] =	vst v1  }
0x40: {  	[tilespmem:s18+$0x2800] =	vst v1  }
0x41: {  	[tilespmem:s18+$0x2810] =	vst v1  }
0x42: {  	[tilespmem:s18+$0x2820] =	vst v1  }
0x43: {  	[tilespmem:s18+$0x2830] =	vst v1  }
0x44: {  	[tilespmem:s18+$0x2840] =	vst v1  }
0x45: {  	[tilespmem:s18+$0x2850] =	vst v1  }
0x46: {  	[tilespmem:s18+$0x2860] =	vst v1  }
0x47: {  	s31 =	simm.s32 $0x0;
	[bflag:$0x0] =	sbarrier.arrive $0xFFFF  }
0x48: {  	[spmem:s2] =	stream.indirect.scatter.add.f32 [tilespmem:s13], [sflag:$0x1], $0x80, s31, s14, $0xb8;
	[tilespmem:$0x1A800] =	vst v63  }
0x49: {  	_ =	swait.ge [sflag:s12], $0x4000  }
0x4a: {  	s18 =	simm.s32 $0x200;
	[sflag:s12] =	ssyncset.done $0x0  }
.LBB2_6:
0x4b: {  	s19 =	sshra.s32 s18, $0x2;
	[sflag:s12] =	ssyncadd.s32 $0xFFFFC000;
	p0 =	sne.s32 s18, $0x9C00  }
0x4c: {  	[spmem:s2] =	stream.indirect.scatter.add.f32 [tilespmem:s13], [sflag:$0x1], $0x80, s19, s14, $0xb8;
	[tilespmem:$0x1A800] =	vst v63  }
.Ltmp2:
0x4d: {  	_ = 	snop;
	(pc) =	sbr.rel @p0 .LBB2_6-.Ltmp2, $4  }
0x4e: {  	_ = 	snop  }
0x4f: {  	s18 =	sadd.s32 $0x200, s18  }
0x50: {  	_ =	swait.ge [sflag:s12], $0x4000  }
0x51: {  	[sflag:s12] =	ssyncset.done $0x0  }
0x52: {  	s17 =	sadd.s32 $0x1, s17  }
0x53: {  	[sflag:s12] =	ssyncadd.s32 $0xFFFFC000;
	p0 =	sne.s32 s17, s7  }
.Ltmp3:
0x54: {  	[bflag:$0x0] =	sbarrier.arrive $0xFFFF;
	(pc) =	sbr.rel @p0 .LBB2_1-.Ltmp3, $4  }
0x55: {  	[hbm:s6], [sflag:s15] =	dma.local [spmem:s16], $0x2800  }
0x56: {  	_ =	swait.ge [sflag:s12], $0x2800  }
0x57: {  	[sflag:s12] =	ssyncset.done $0x0  }
0x58: {  	[sflag:s12] =	ssyncadd.s32 $0xFFFFD800  }
0x59: {  	_ =	sfence.sel $0x180000  }
0x5a: {  	[bflag:$0x0] =	sbarrier.arrive $0xFFFF  }
0x5b: {  	p0 =	sne.s32 s1, $0x0;
	_ =	strace $0x90000047  }
0x5c: {  	s0 =	sadd.s32 @!p0 $0x100000, s0;
	[bflag:$0x2] =	sbarrier.arrive $0xFFFF  }
0x5d: {  	[sflag:s0] =	ssyncadd.tile.s32 @!p0 $0x1;
	_ =	shalt  }
.Lfunc_end2:
_tile_overlayer_lowered:
.L_overlay_start_2:
0x5e: {  	(tag) =	ssettag $0x2  }
0x5f: {  	s0 =	rddreg [dreg:$0x0];
	s2 =	stileid.u32  }
0x60: {  	s1 =	rddreg [dreg:$0x1];
	p0 =	sne.s32 s2, $0x0  }
0x61: {  	s3 =	rddreg [dreg:$0x2];
	[bflag:$0x3] =	sbarrier.arrive $0xFFFF;
	s2 =	simm.s32 @!p0 $0x1C01  }
0x62: {  	[timem:s3], [sflag:s2] =	dma.local @!p0 [hbm:s0], s1  }
0x63: {  	s0 =	simm.s32 @!p0 $0x1  }
0x64: {  	_ =	swait.ge @!p0 [sflag:s0], s1  }
0x65: {  	s1 =	ssub.s32 @!p0 $0x0, s1;
	[sflag:s0] =	ssyncset.done @!p0 $0x0  }
0x66: {  	[sflag:s0] =	ssyncadd.s32 @!p0 s1  }
0x67: {  	[bflag:$0x3] =	sbarrier.arrive $0xFFFF  }
0x68: {  	_ =	shalt  }

</sc_bundles>
